<compile_context>
chip_gen: v7x
topology: tpu7x:2x2x1
jax: 0.10.2.dev20260603
libtpu: 0.0.44.dev20260713+nightly
codegen_flags: <defaults>
</compile_context>

<pallas_src>
import functools

import jax
import jax.numpy as jnp
from jax import lax
from jax.experimental import pallas as pl
from jax.experimental.pallas import tpu as pltpu
from jax.experimental.pallas import tpu_sc as plsc

_N = 24000
_NCROP = 3072
_ROWS = 32
_NBINS = 2048
_MIN32 = -2147483648
_FLIP = 0x7FFFFFFF


def _sortable_key(dv):
    kv = lax.bitcast_convert_type(dv, jnp.int32)
    return jnp.where(kv < 0, kv ^ _FLIP, kv)


def _thresh_body(d_ref, t_ref, need_ref):
    kb = _sortable_key(d_ref[...]) ^ _MIN32
    nr = kb.shape[0]

    def step(i, carry):
        tval, r, cl, dm = carry
        bit = 31 - i
        bmask = jnp.int32(1) << bit
        matched = (kb & dm) == tval
        bitzero = (kb & bmask) == 0
        c0 = jnp.sum((matched & bitzero).astype(jnp.int32), axis=1,
                     keepdims=True)
        choose0 = r < c0
        tval = jnp.where(choose0, tval, tval | bmask)
        r = jnp.where(choose0, r, r - c0)
        cl = jnp.where(choose0, cl, cl + c0)
        return tval, r, cl, dm | bmask

    z = jnp.zeros((nr, 1), jnp.int32)
    tval, _, cl, _ = lax.fori_loop(
        0, 32, step, (z, z + jnp.int32(_NCROP - 1), z, jnp.int32(0)))
    t_s = tval ^ _MIN32
    t_ref[...] = jnp.broadcast_to(t_s, (nr, 16))
    need_ref[...] = jnp.broadcast_to(jnp.int32(_NCROP) - cl, (nr, 16))


def _thresholds(d2):
    half = _ROWS // 2
    return pl.pallas_call(
        _thresh_body,
        grid=(2,),
        in_specs=[pl.BlockSpec((half, _N), lambda i: (i, 0))],
        out_specs=(pl.BlockSpec((half, 16), lambda i: (i, 0)),
                   pl.BlockSpec((half, 16), lambda i: (i, 0))),
        out_shape=(jax.ShapeDtypeStruct((_ROWS, 16), jnp.int32),
                   jax.ShapeDtypeStruct((_ROWS, 16), jnp.int32)),
        compiler_params=pltpu.CompilerParams(
            dimension_semantics=("parallel",)),
    )(d2)


def _sc_body(d_hbm, pts_hbm, gt_hbm, t_hbm, need_hbm,
             nn_out, feat_out, gt_out,
             dbuf, chbuf, gtbuf, key_a, idx_a, key_b, idx_b,
             outv, outvi, hist, offs, tvec, nvec, sem0, sem1, sem2):
    wid = lax.axis_index("s") * 2 + lax.axis_index("c")
    row = wid
    b = row // 8

    pltpu.sync_copy(d_hbm.at[row], dbuf)
    pltpu.sync_copy(t_hbm.at[row], tvec)
    pltpu.sync_copy(need_hbm.at[row], nvec)

    iota16 = lax.iota(jnp.int32, 16)
    czero, _ = plsc.scan_count(jnp.zeros((16,), jnp.int32))
    b0vec = czero - iota16

    tval_vec = tvec[...]
    need_vec = nvec[...]

    @plsc.parallel_loop(0, _N // 16, unroll=8,
                        carry=(jnp.int32(0), jnp.int32(0)))
    def _compact(i, carry):
        nsel, ntie = carry
        key_s = _sortable_key(dbuf[pl.ds(i * 16, 16)])
        isl = key_s < tval_vec
        ise = key_s == tval_vec
        ise_i = ise.astype(jnp.int32)
        tie_pfx = plsc.cumsum(ise_i) - ise_i + ntie
        sel = jnp.logical_or(isl, jnp.logical_and(ise, tie_pfx < need_vec))
        sel_i = sel.astype(jnp.int32)
        pos = plsc.cumsum(sel_i) - sel_i + nsel
        plsc.store_scatter(key_a, [pos], key_s ^ _MIN32, mask=sel)
        plsc.store_scatter(idx_a, [pos], iota16 + i * 16, mask=sel)
        return nsel + jnp.sum(sel_i), ntie + jnp.sum(ise_i)

    fbufs = [dbuf, chbuf]
    h_ch = pltpu.async_copy(pts_hbm.at[b, 0], dbuf, sem0)
    h_gt = pltpu.async_copy(gt_hbm.at[b, 0], gtbuf, sem2)

    def _zero_hist():
        @plsc.parallel_loop(0, _NBINS // 16, unroll=8)
        def _zero(j):
            hist[pl.ds(j * 16, 16)] = jnp.zeros((16,), jnp.int32)

    _zero_hist()

    def hstep(v, _):
        kb = key_a[pl.ds(v * 16, 16)]
        dg = kb & (_NBINS - 1)
        cnt, last = plsc.scan_count(dg)
        plsc.addupdate_scatter(hist, [dg], cnt - b0vec + 1, mask=last)
        return 0

    lax.fori_loop(0, _NCROP // 16, hstep, 0)

    bufs = [(key_a, idx_a), (key_b, idx_b)]
    for p in range(3):
        src_k, src_i = bufs[p % 2]
        dst_k, dst_i = bufs[(p + 1) % 2]
        shift = 11 * p
        nshift = 11 * (p + 1)

        def pstep(j, carry):
            h = hist[pl.ds(j * 16, 16)]
            cs = plsc.cumsum(h)
            offs[pl.ds(j * 16, 16)] = cs - h + carry
            return carry + jnp.sum(h)

        lax.fori_loop(0, _NBINS // 16, pstep, jnp.int32(0))
        _zero_hist()

        def mstep(v, _, src_k=src_k, src_i=src_i, dst_k=dst_k, dst_i=dst_i,
                  shift=shift, nshift=nshift, last_pass=(p == 2)):
            kb = src_k[pl.ds(v * 16, 16)]
            ix = src_i[pl.ds(v * 16, 16)]
            dg = lax.shift_right_logical(kb, shift) & (_NBINS - 1)
            base = plsc.load_gather(offs, [dg])
            cnt, last = plsc.scan_count(dg)
            rank0 = cnt - b0vec
            pos = base + rank0
            plsc.store_scatter(dst_k, [pos], kb)
            plsc.store_scatter(dst_i, [pos], ix)
            plsc.addupdate_scatter(offs, [dg], rank0 + 1, mask=last)
            if not last_pass:
                ndg = lax.shift_right_logical(kb, nshift) & (_NBINS - 1)
                ncnt, nlast = plsc.scan_count(ndg)
                plsc.addupdate_scatter(hist, [ndg], ncnt - b0vec + 1,
                                       mask=nlast)
            return 0

        lax.fori_loop(0, _NCROP // 16, mstep, 0)

    pltpu.sync_copy(idx_b, nn_out.at[row])

    sems = [sem0, sem1]
    for ch in range(6):
        cur = fbufs[ch % 2]
        h_ch.wait()
        if ch + 1 < 6:
            h_ch = pltpu.async_copy(pts_hbm.at[b, ch + 1],
                                    fbufs[(ch + 1) % 2], sems[(ch + 1) % 2])

        @plsc.parallel_loop(0, _NCROP // 16, unroll=8)
        def _gather(v, cur=cur):
            ix = idx_b[pl.ds(v * 16, 16)]
            outv[pl.ds(v * 16, 16)] = plsc.load_gather(cur, [ix])

        pltpu.sync_copy(outv, feat_out.at[row, ch])

    h_gt.wait()

    @plsc.parallel_loop(0, _NCROP // 16, unroll=8)
    def _gather_gt(v):
        ix = idx_b[pl.ds(v * 16, 16)]
        outvi[pl.ds(v * 16, 16)] = plsc.load_gather(gtbuf, [ix])

    pltpu.sync_copy(outvi, gt_out.at[row])


def _sc_select_gather(d2, pts2, gt2, t_b, need_b):
    mesh = plsc.VectorSubcoreMesh(core_axis_name="c", subcore_axis_name="s")
    fn = functools.partial(
        pl.kernel,
        out_type=(jax.ShapeDtypeStruct((_ROWS, _NCROP), jnp.int32),
                  jax.ShapeDtypeStruct((_ROWS, 6, _NCROP), jnp.float32),
                  jax.ShapeDtypeStruct((_ROWS, _NCROP), jnp.int32)),
        mesh=mesh,
        compiler_params=pltpu.CompilerParams(needs_layout_passes=False),
        scratch_types=[
            pltpu.VMEM((_N,), jnp.float32),
            pltpu.VMEM((_N,), jnp.float32),
            pltpu.VMEM((_N,), jnp.int32),
            pltpu.VMEM((_NCROP,), jnp.int32),
            pltpu.VMEM((_NCROP,), jnp.int32),
            pltpu.VMEM((_NCROP,), jnp.int32),
            pltpu.VMEM((_NCROP,), jnp.int32),
            pltpu.VMEM((_NCROP,), jnp.float32),
            pltpu.VMEM((_NCROP,), jnp.int32),
            pltpu.VMEM((_NBINS,), jnp.int32),
            pltpu.VMEM((_NBINS,), jnp.int32),
            pltpu.VMEM((16,), jnp.int32),
            pltpu.VMEM((16,), jnp.int32),
            pltpu.SemaphoreType.DMA,
            pltpu.SemaphoreType.DMA,
            pltpu.SemaphoreType.DMA,
        ],
    )(_sc_body)
    return fn(d2, pts2, gt2, t_b, need_b)


def _ddf_body(feat_ref, cent_ref, out_ref):
    f = feat_ref[...]
    c = cent_ref[...]
    x, y, z = f[:, 0:1, :], f[:, 1:2, :], f[:, 2:3, :]
    cx, cy, cz = c[:, :, 0:1], c[:, :, 1:2], c[:, :, 2:3]
    dot = cx * x
    dot = dot + cy * y
    dot = dot + cz * z
    psq = x * x + y * y + z * z
    csq = cx * cx + cy * cy + cz * cz
    dd = -2.0 * dot
    dd = dd + psq
    dd = dd + csq
    ddf = jnp.exp(-4.0 * jnp.sqrt(jnp.maximum(dd, 1e-12)))
    out_ref[:, 0:3, :] = f[:, 0:3, :]
    out_ref[:, 3:9, :] = f
    out_ref[:, 9:10, :] = ddf


def _assemble(feat, centers):
    rb = 8
    return pl.pallas_call(
        _ddf_body,
        grid=(_ROWS // rb,),
        in_specs=[
            pl.BlockSpec((rb, 6, _NCROP), lambda r: (r, 0, 0)),
            pl.BlockSpec((rb, 1, 3), lambda r: (r, 0, 0)),
        ],
        out_specs=pl.BlockSpec((rb, 10, _NCROP), lambda r: (r, 0, 0)),
        out_shape=jax.ShapeDtypeStruct((_ROWS, 10, _NCROP), jnp.float32),
        compiler_params=pltpu.CompilerParams(
            dimension_semantics=("parallel",)),
    )(feat, centers)


def kernel(points, gt_seg, center_points):
    B, C, N = points.shape
    K = center_points.shape[1]

    xyz = jnp.transpose(points[:, :3, :], (0, 2, 1))
    dd = -2.0 * jnp.einsum('bnc,bmc->bnm', center_points, xyz)
    dd = dd + jnp.sum(center_points ** 2, axis=-1)[:, :, None]
    dd = dd + jnp.sum(xyz ** 2, axis=-1)[:, None, :]

    d2 = dd.reshape(_ROWS, _N)
    t_b, need_b = _thresholds(d2)

    nn2, feat, gtg = _sc_select_gather(d2, points, gt_seg, t_b, need_b)

    out = _assemble(feat, center_points.reshape(_ROWS, 1, 3))

    cropped_feature_ls = out
    cropped_gt = gtg.reshape(_ROWS, 1, _NCROP)
    nn_idx = nn2.reshape(B, K, _NCROP)
    return (cropped_feature_ls, cropped_gt, nn_idx)

# --- scband reference (transcript-rebuilt; emitter-appended) ---
"""Pipeline reference for scband-tseg-net-module-7550552506748 (READ-ONLY COPY).

The authoritative reference and input builder live on the scoring server;
editing this copy changes nothing except your own understanding.
"""

import jax, jax.numpy as jnp
import numpy as np


def square_distance(src, dst):
    # src: [B, N, C], dst: [B, M, C] -> [B, N, M]
    d = -2.0 * jnp.einsum('bnc,bmc->bnm', src, dst)
    d = d + jnp.sum(src ** 2, axis=-1)[:, :, None]
    d = d + jnp.sum(dst ** 2, axis=-1)[:, None, :]
    return d


def setup_inputs(seed: int = 0) -> dict:
    key = jax.random.key(seed)
    k1, k2, k3 = jax.random.split(key, 3)
    points = jax.random.normal(k1, (4, 6, 24000), dtype=jnp.float32)
    gt_seg = jax.random.randint(k2, (4, 1, 24000), 0, 17, dtype=jnp.int32)
    center_points = jax.random.normal(k3, (4, 8, 3), dtype=jnp.float32)
    return {"points": points, "gt_seg": gt_seg, "center_points": center_points}


def reference(points, gt_seg, center_points):
    # points: [B, 6, N] (first 3 channels are xyz), gt_seg: [B, 1, N] int labels,
    # center_points: [B, K, 3] tooth centroid proposals (stand-in for DBSCAN output).
    B, C, N = points.shape
    K = center_points.shape[1]
    n_crop = 3072
    xyz = jnp.transpose(points[:, :3, :], (0, 2, 1))  # [B, N, 3]

    # ou.get_nearest_neighbor_idx: for each center, find the 3072 nearest points
    d = square_distance(center_points, xyz)  # [B, K, N]
    neg_d, nn_idx = jax.lax.top_k(-d, n_crop)  # nn_idx: [B, K, n_crop]

    # ou.get_indexed_features: gather cropped point features / gt labels per cluster
    cropped_input = jnp.take_along_axis(points[:, None, :, :], nn_idx[:, :, None, :], axis=3)  # [B, K, C, n_crop]
    cropped_gt = jnp.take_along_axis(gt_seg[:, None, :, :], nn_idx[:, :, None, :], axis=3)      # [B, K, 1, n_crop]
    cropped_input = cropped_input.reshape(B * K, C, n_crop)
    cropped_gt = cropped_gt.reshape(B * K, 1, n_crop)

    # get_ddf: exp(-4 * ||p - center||)
    cropped_coord = jnp.transpose(cropped_input[:, :3, :], (0, 2, 1))  # [B*K, n_crop, 3]
    centers = center_points.reshape(B * K, 1, 3)
    ddf = square_distance(cropped_coord, centers)  # [B*K, n_crop, 1]
    ddf = jnp.sqrt(jnp.maximum(ddf, 1e-12))
    ddf = jnp.exp(-4.0 * ddf)
    ddf = jnp.transpose(ddf, (0, 2, 1))  # [B*K, 1, n_crop]

    # torch.cat([cropped_input_ls[:, :3, :], cropped_feature_ls, ddf], axis=1)
    cropped_feature_ls = jnp.concatenate([cropped_input[:, :3, :], cropped_input, ddf], axis=1)  # [B*K, 10, n_crop]
    return (cropped_feature_ls, cropped_gt, nn_idx)

if __name__ == "__main__":
    import jax
    _d = setup_inputs()
    print(jax.jit(kernel)(*tuple(_d.values())))

</pallas_src>

<mosaic_0001>
#map = affine_map<(d0, d1) -> (0, 0)>
#map1 = affine_map<(d0, d1) -> (0, 0, 0)>
module attributes {stable_mosaic.version = 14 : i64} {
  func.func @_sc_body(%arg0: i32, %arg1: i32, %arg2: memref<32x24000xf32, #tpu.memory_space<hbm>>, %arg3: memref<4x6x24000xf32, #tpu.memory_space<hbm>>, %arg4: memref<4x1x24000xi32, #tpu.memory_space<hbm>>, %arg5: memref<32x16xi32, #tpu.memory_space<hbm>>, %arg6: memref<32x16xi32, #tpu.memory_space<hbm>>, %arg7: memref<32x3072xi32, #tpu.memory_space<hbm>>, %arg8: memref<32x6x3072xf32, #tpu.memory_space<hbm>>, %arg9: memref<32x3072xi32, #tpu.memory_space<hbm>>, %arg10: memref<24000xf32, #tpu.memory_space<vmem>>, %arg11: memref<24000xf32, #tpu.memory_space<vmem>>, %arg12: memref<24000xi32, #tpu.memory_space<vmem>>, %arg13: memref<3072xi32, #tpu.memory_space<vmem>>, %arg14: memref<3072xi32, #tpu.memory_space<vmem>>, %arg15: memref<3072xi32, #tpu.memory_space<vmem>>, %arg16: memref<3072xi32, #tpu.memory_space<vmem>>, %arg17: memref<3072xf32, #tpu.memory_space<vmem>>, %arg18: memref<3072xi32, #tpu.memory_space<vmem>>, %arg19: memref<2048xi32, #tpu.memory_space<vmem>>, %arg20: memref<2048xi32, #tpu.memory_space<vmem>>, %arg21: memref<16xi32, #tpu.memory_space<vmem>>, %arg22: memref<16xi32, #tpu.memory_space<vmem>>, %arg23: memref<!tpu.dma_semaphore, #tpu.memory_space<semaphore_mem>>, %arg24: memref<!tpu.dma_semaphore, #tpu.memory_space<semaphore_mem>>, %arg25: memref<!tpu.dma_semaphore, #tpu.memory_space<semaphore_mem>>) attributes {dimension_semantics = [#tpu.dimension_semantics<core_parallel>, #tpu.dimension_semantics<subcore_parallel>], iteration_bounds = array<i64: 2, 16>, scalar_prefetch = 0 : i64, scratch_operands = 16 : i64, tpu.core_type = #tpu.core_type<sc_vector_subcore>, window_params = [{transform_indices = #map}, {transform_indices = #map1}, {transform_indices = #map1}, {transform_indices = #map}, {transform_indices = #map}, {transform_indices = #map}, {transform_indices = #map1}, {transform_indices = #map}]} {
    %mul3A = arith.constant 2 : i32
    %mul3A_0 = arith.muli %arg1, %mul3A : i32
    %add3A = arith.addi %mul3A_0, %arg0 : i32
    %jit3A = arith.constant 8 : i32
    %div3A = arith.divsi %add3A, %jit3A : i32
    %sign3A = arith.constant 0 : i32
    %sign3A_1 = arith.cmpi sgt, %add3A, %sign3A : i32
    %sign3A_2 = arith.extui %sign3A_1 : i1 to i32
    %sign3A_3 = arith.constant 0 : i32
    %sign3A_4 = arith.cmpi slt, %add3A, %sign3A_3 : i32
    %sign3A_5 = arith.extui %sign3A_4 : i1 to i32
    %sign3A_6 = arith.subi %sign3A_2, %sign3A_5 : i32
    %sign3A_7 = arith.constant 0 : i32
    %sign3A_8 = arith.cmpi sgt, %jit3A, %sign3A_7 : i32
    %sign3A_9 = arith.extui %sign3A_8 : i1 to i32
    %sign3A_10 = arith.constant 0 : i32
    %sign3A_11 = arith.cmpi slt, %jit3A, %sign3A_10 : i32
    %sign3A_12 = arith.extui %sign3A_11 : i1 to i32
    %sign3A_13 = arith.subi %sign3A_9, %sign3A_12 : i32
    %ne3A = arith.cmpi ne, %sign3A_6, %sign3A_13 : i32
    %rem3A = arith.remsi %add3A, %jit3A : i32
    %ne3A_14 = arith.constant 0 : i32
    %ne3A_15 = arith.cmpi ne, %rem3A, %ne3A_14 : i32
    %and3A = arith.andi %ne3A, %ne3A_15 : i1
    %sub3A = arith.constant 1 : i32
    %sub3A_16 = arith.subi %div3A, %sub3A : i32
    %select_n3A = arith.select %and3A, %sub3A_16, %div3A : i32
    "tpu.region"() ({
      %run_scoped3A_212 = tpu.sem_alloc : memref<!tpu.dma_semaphore, #tpu.memory_space<semaphore_mem>>
      %dma_start3A_213 = arith.constant 0 : i32
      %dma_start3A_214 = tpu.memref_slice %arg2[%add3A, %dma_start3A_213] : memref<32x24000xf32, #tpu.memory_space<hbm>> -> memref<1x24000xf32, #tpu.memory_space<hbm>>
      %dma_start3A_215 = tpu.memref_squeeze %dma_start3A_214 : memref<1x24000xf32, #tpu.memory_space<hbm>> -> memref<24000xf32, #tpu.memory_space<hbm>>
      %dma_start3A_216 = arith.constant 0 : i32
      %dma_start3A_217 = tpu.memref_slice %arg2[%add3A, %dma_start3A_216] : memref<32x24000xf32, #tpu.memory_space<hbm>> -> memref<1x24000xf32, #tpu.memory_space<hbm>>
      %dma_start3A_218 = tpu.memref_squeeze %dma_start3A_217 : memref<1x24000xf32, #tpu.memory_space<hbm>> -> memref<24000xf32, #tpu.memory_space<hbm>>
      tpu.enqueue_dma source(%dma_start3A_218 : memref<24000xf32, #tpu.memory_space<hbm>>) target(%arg10 : memref<24000xf32, #tpu.memory_space<vmem>>) target_semaphore(%run_scoped3A_212 : memref<!tpu.dma_semaphore, #tpu.memory_space<semaphore_mem>>)
      %dma_wait3A_219 = arith.constant 0 : i32
      %dma_wait3A_220 = tpu.memref_slice %arg2[%add3A, %dma_wait3A_219] : memref<32x24000xf32, #tpu.memory_space<hbm>> -> memref<1x24000xf32, #tpu.memory_space<hbm>>
      %dma_wait3A_221 = tpu.memref_squeeze %dma_wait3A_220 : memref<1x24000xf32, #tpu.memory_space<hbm>> -> memref<24000xf32, #tpu.memory_space<hbm>>
      %dma_wait3A_222 = arith.constant 0 : i32
      %dma_wait3A_223 = tpu.memref_slice %arg2[%add3A, %dma_wait3A_222] : memref<32x24000xf32, #tpu.memory_space<hbm>> -> memref<1x24000xf32, #tpu.memory_space<hbm>>
      %dma_wait3A_224 = tpu.memref_squeeze %dma_wait3A_223 : memref<1x24000xf32, #tpu.memory_space<hbm>> -> memref<24000xf32, #tpu.memory_space<hbm>>
      tpu.wait_dma2 semaphore(%run_scoped3A_212 : memref<!tpu.dma_semaphore, #tpu.memory_space<semaphore_mem>>) src(%dma_wait3A_224 : memref<24000xf32, #tpu.memory_space<hbm>>) dst(%arg10 : memref<24000xf32, #tpu.memory_space<vmem>>)
      tpu.yield
    }) : () -> ()
    "tpu.region"() ({
      %run_scoped3A_212 = tpu.sem_alloc : memref<!tpu.dma_semaphore, #tpu.memory_space<semaphore_mem>>
      %dma_start3A_213 = arith.constant 0 : i32
      %dma_start3A_214 = tpu.memref_slice %arg5[%add3A, %dma_start3A_213] : memref<32x16xi32, #tpu.memory_space<hbm>> -> memref<1x16xi32, #tpu.memory_space<hbm>>
      %dma_start3A_215 = tpu.memref_squeeze %dma_start3A_214 : memref<1x16xi32, #tpu.memory_space<hbm>> -> memref<16xi32, #tpu.memory_space<hbm>>
      %dma_start3A_216 = arith.constant 0 : i32
      %dma_start3A_217 = tpu.memref_slice %arg5[%add3A, %dma_start3A_216] : memref<32x16xi32, #tpu.memory_space<hbm>> -> memref<1x16xi32, #tpu.memory_space<hbm>>
      %dma_start3A_218 = tpu.memref_squeeze %dma_start3A_217 : memref<1x16xi32, #tpu.memory_space<hbm>> -> memref<16xi32, #tpu.memory_space<hbm>>
      tpu.enqueue_dma source(%dma_start3A_218 : memref<16xi32, #tpu.memory_space<hbm>>) target(%arg21 : memref<16xi32, #tpu.memory_space<vmem>>) target_semaphore(%run_scoped3A_212 : memref<!tpu.dma_semaphore, #tpu.memory_space<semaphore_mem>>)
      %dma_wait3A_219 = arith.constant 0 : i32
      %dma_wait3A_220 = tpu.memref_slice %arg5[%add3A, %dma_wait3A_219] : memref<32x16xi32, #tpu.memory_space<hbm>> -> memref<1x16xi32, #tpu.memory_space<hbm>>
      %dma_wait3A_221 = tpu.memref_squeeze %dma_wait3A_220 : memref<1x16xi32, #tpu.memory_space<hbm>> -> memref<16xi32, #tpu.memory_space<hbm>>
      %dma_wait3A_222 = arith.constant 0 : i32
      %dma_wait3A_223 = tpu.memref_slice %arg5[%add3A, %dma_wait3A_222] : memref<32x16xi32, #tpu.memory_space<hbm>> -> memref<1x16xi32, #tpu.memory_space<hbm>>
      %dma_wait3A_224 = tpu.memref_squeeze %dma_wait3A_223 : memref<1x16xi32, #tpu.memory_space<hbm>> -> memref<16xi32, #tpu.memory_space<hbm>>
      tpu.wait_dma2 semaphore(%run_scoped3A_212 : memref<!tpu.dma_semaphore, #tpu.memory_space<semaphore_mem>>) src(%dma_wait3A_224 : memref<16xi32, #tpu.memory_space<hbm>>) dst(%arg21 : memref<16xi32, #tpu.memory_space<vmem>>)
      tpu.yield
    }) : () -> ()
    "tpu.region"() ({
      %run_scoped3A_212 = tpu.sem_alloc : memref<!tpu.dma_semaphore, #tpu.memory_space<semaphore_mem>>
      %dma_start3A_213 = arith.constant 0 : i32
      %dma_start3A_214 = tpu.memref_slice %arg6[%add3A, %dma_start3A_213] : memref<32x16xi32, #tpu.memory_space<hbm>> -> memref<1x16xi32, #tpu.memory_space<hbm>>
      %dma_start3A_215 = tpu.memref_squeeze %dma_start3A_214 : memref<1x16xi32, #tpu.memory_space<hbm>> -> memref<16xi32, #tpu.memory_space<hbm>>
      %dma_start3A_216 = arith.constant 0 : i32
      %dma_start3A_217 = tpu.memref_slice %arg6[%add3A, %dma_start3A_216] : memref<32x16xi32, #tpu.memory_space<hbm>> -> memref<1x16xi32, #tpu.memory_space<hbm>>
      %dma_start3A_218 = tpu.memref_squeeze %dma_start3A_217 : memref<1x16xi32, #tpu.memory_space<hbm>> -> memref<16xi32, #tpu.memory_space<hbm>>
      tpu.enqueue_dma source(%dma_start3A_218 : memref<16xi32, #tpu.memory_space<hbm>>) target(%arg22 : memref<16xi32, #tpu.memory_space<vmem>>) target_semaphore(%run_scoped3A_212 : memref<!tpu.dma_semaphore, #tpu.memory_space<semaphore_mem>>)
      %dma_wait3A_219 = arith.constant 0 : i32
      %dma_wait3A_220 = tpu.memref_slice %arg6[%add3A, %dma_wait3A_219] : memref<32x16xi32, #tpu.memory_space<hbm>> -> memref<1x16xi32, #tpu.memory_space<hbm>>
      %dma_wait3A_221 = tpu.memref_squeeze %dma_wait3A_220 : memref<1x16xi32, #tpu.memory_space<hbm>> -> memref<16xi32, #tpu.memory_space<hbm>>
      %dma_wait3A_222 = arith.constant 0 : i32
      %dma_wait3A_223 = tpu.memref_slice %arg6[%add3A, %dma_wait3A_222] : memref<32x16xi32, #tpu.memory_space<hbm>> -> memref<1x16xi32, #tpu.memory_space<hbm>>
      %dma_wait3A_224 = tpu.memref_squeeze %dma_wait3A_223 : memref<1x16xi32, #tpu.memory_space<hbm>> -> memref<16xi32, #tpu.memory_space<hbm>>
      tpu.wait_dma2 semaphore(%run_scoped3A_212 : memref<!tpu.dma_semaphore, #tpu.memory_space<semaphore_mem>>) src(%dma_wait3A_224 : memref<16xi32, #tpu.memory_space<hbm>>) dst(%arg22 : memref<16xi32, #tpu.memory_space<vmem>>)
      tpu.yield
    }) : () -> ()
    %iota3A = tpu.iota {dimensions = array<i32: 0>} : vector<16xi32>
    %broadcast_in_dim3A = arith.constant 0 : i32
    %broadcast_in_dim3A_17 = vector.broadcast %broadcast_in_dim3A : i32 to vector<16xi32>
    %broadcast_in_dim3A_18 = arith.constant true
    %broadcast_in_dim3A_19 = vector.broadcast %broadcast_in_dim3A_18 : i1 to vector<16xi1>
    %unique3A, %unique3A_20 = tpu.scan_count mask(%broadcast_in_dim3A_19 : vector<16xi1>) value(%broadcast_in_dim3A_17 : vector<16xi32>) : vector<16xi1>, vector<16xi32>
    %sub3A_21 = arith.subi %unique3A_20, %iota3A : vector<16xi32>
    %get3A = arith.constant 0 : index
    %get3A_22 = tpu.vector_load %arg21[%get3A] {strides = array<i32>} : memref<16xi32, #tpu.memory_space<vmem>>, vector<16xi32>,
    %get3A_23 = arith.constant 0 : index
    %get3A_24 = tpu.vector_load %arg22[%get3A_23] {strides = array<i32>} : memref<16xi32, #tpu.memory_space<vmem>>, vector<16xi32>,
    %parallel_loop3A = arith.constant 0 : i32
    %parallel_loop3A_25 = arith.constant 1500 : i32
    %parallel_loop3A_26 = arith.constant 1 : i32
    %parallel_loop3A_27 = arith.constant 0 : i32
    %parallel_loop3A_28 = arith.constant 0 : i32
    %parallel_loop3A_29:2 = scf.for %parallel_loop3A_212 = %parallel_loop3A to %parallel_loop3A_25 step %parallel_loop3A_26 iter_args(%parallel_loop3A_213 = %parallel_loop3A_27, %parallel_loop3A_214 = %parallel_loop3A_28) -> (i32, i32)  : i32 {
      %parallel_loop3A_215 = arith.constant 16 : i32
      %parallel_loop3A_216 = arith.muli %parallel_loop3A_212, %parallel_loop3A_215 : i32
      %parallel_loop3A_217 = arith.index_cast %parallel_loop3A_216 : i32 to index
      %parallel_loop3A_218 = tpu.vector_load %arg10[%parallel_loop3A_217] {strides = array<i32>} : memref<24000xf32, #tpu.memory_space<vmem>>, vector<16xf32>,
      %parallel_loop3A_219 = tpu.bitcast %parallel_loop3A_218 : vector<16xf32> -> vector<16xi32>
      %parallel_loop3A_220 = arith.constant 0 : i32
      %parallel_loop3A_221 = vector.broadcast %parallel_loop3A_220 : i32 to vector<16xi32>
      %parallel_loop3A_222 = arith.cmpi slt, %parallel_loop3A_219, %parallel_loop3A_221 : vector<16xi32>
      %parallel_loop3A_223 = arith.constant 2147483647 : i32
      %parallel_loop3A_224 = vector.broadcast %parallel_loop3A_223 : i32 to vector<16xi32>
      %parallel_loop3A_225 = arith.xori %parallel_loop3A_219, %parallel_loop3A_224 : vector<16xi32>
      %parallel_loop3A_226 = arith.select %parallel_loop3A_222, %parallel_loop3A_225, %parallel_loop3A_219 : vector<16xi1>, vector<16xi32>
      %parallel_loop3A_227 = arith.cmpi slt, %parallel_loop3A_226, %get3A_22 : vector<16xi32>
      %parallel_loop3A_228 = arith.cmpi eq, %parallel_loop3A_226, %get3A_22 : vector<16xi32>
      %parallel_loop3A_229 = arith.extui %parallel_loop3A_228 : vector<16xi1> to vector<16xi32>
      %parallel_loop3A_230 = arith.constant true
      %parallel_loop3A_231 = vector.broadcast %parallel_loop3A_230 : i1 to vector<16xi1>
      %parallel_loop3A_232 = tpu.scan <sum>, %parallel_loop3A_229 masked %parallel_loop3A_231 : vector<16xi32>, vector<16xi1> -> vector<16xi32>
      %parallel_loop3A_233 = arith.subi %parallel_loop3A_232, %parallel_loop3A_229 : vector<16xi32>
      %parallel_loop3A_234 = vector.broadcast %parallel_loop3A_214 : i32 to vector<16xi32>
      %parallel_loop3A_235 = arith.addi %parallel_loop3A_233, %parallel_loop3A_234 : vector<16xi32>
      %parallel_loop3A_236 = arith.cmpi slt, %parallel_loop3A_235, %get3A_24 : vector<16xi32>
      %parallel_loop3A_237 = arith.andi %parallel_loop3A_228, %parallel_loop3A_236 : vector<16xi1>
      %parallel_loop3A_238 = arith.ori %parallel_loop3A_227, %parallel_loop3A_237 : vector<16xi1>
      %parallel_loop3A_239 = arith.extui %parallel_loop3A_238 : vector<16xi1> to vector<16xi32>
      %parallel_loop3A_240 = arith.constant true
      %parallel_loop3A_241 = vector.broadcast %parallel_loop3A_240 : i1 to vector<16xi1>
      %parallel_loop3A_242 = tpu.scan <sum>, %parallel_loop3A_239 masked %parallel_loop3A_241 : vector<16xi32>, vector<16xi1> -> vector<16xi32>
      %parallel_loop3A_243 = arith.subi %parallel_loop3A_242, %parallel_loop3A_239 : vector<16xi32>
      %parallel_loop3A_244 = vector.broadcast %parallel_loop3A_213 : i32 to vector<16xi32>
      %parallel_loop3A_245 = arith.addi %parallel_loop3A_243, %parallel_loop3A_244 : vector<16xi32>
      %parallel_loop3A_246 = arith.constant -2147483648 : i32
      %parallel_loop3A_247 = vector.broadcast %parallel_loop3A_246 : i32 to vector<16xi32>
      %parallel_loop3A_248 = arith.xori %parallel_loop3A_226, %parallel_loop3A_247 : vector<16xi32>
      tpu.vector_store_idx %arg13[%parallel_loop3A_245], %parallel_loop3A_248 masked %parallel_loop3A_238 : memref<3072xi32, #tpu.memory_space<vmem>>[vector<16xi32>], vector<16xi32>, vector<16xi1>
      %parallel_loop3A_249 = arith.constant 16 : i32
      %parallel_loop3A_250 = arith.muli %parallel_loop3A_212, %parallel_loop3A_249 : i32
      %parallel_loop3A_251 = vector.broadcast %parallel_loop3A_250 : i32 to vector<16xi32>
      %parallel_loop3A_252 = arith.addi %iota3A, %parallel_loop3A_251 : vector<16xi32>
      tpu.vector_store_idx %arg14[%parallel_loop3A_245], %parallel_loop3A_252 masked %parallel_loop3A_238 : memref<3072xi32, #tpu.memory_space<vmem>>[vector<16xi32>], vector<16xi32>, vector<16xi1>
      %parallel_loop3A_253 = arith.constant true
      %parallel_loop3A_254 = vector.broadcast %parallel_loop3A_253 : i1 to vector<16xi1>
      %parallel_loop3A_255 = tpu.scan <sum>, %parallel_loop3A_239 masked %parallel_loop3A_254 : vector<16xi32>, vector<16xi1> -> vector<16xi32>
      %parallel_loop3A_256 = vector.extract %parallel_loop3A_255[15] : i32 from vector<16xi32>
      %parallel_loop3A_257 = arith.addi %parallel_loop3A_213, %parallel_loop3A_256 : i32
      %parallel_loop3A_258 = arith.constant true
      %parallel_loop3A_259 = vector.broadcast %parallel_loop3A_258 : i1 to vector<16xi1>
      %parallel_loop3A_260 = tpu.scan <sum>, %parallel_loop3A_229 masked %parallel_loop3A_259 : vector<16xi32>, vector<16xi1> -> vector<16xi32>
      %parallel_loop3A_261 = vector.extract %parallel_loop3A_260[15] : i32 from vector<16xi32>
      %parallel_loop3A_262 = arith.addi %parallel_loop3A_214, %parallel_loop3A_261 : i32
      scf.yield %parallel_loop3A_257, %parallel_loop3A_262 : i32, i32
    } {sc.loop_unroll_factor = 8 : i64, sc.parallel_access}
    %dma_start3A = arith.constant 0 : i32
    %dma_start3A_30 = arith.constant 0 : i32
    %dma_start3A_31 = tpu.memref_slice %arg3[%select_n3A, %dma_start3A, %dma_start3A_30] : memref<4x6x24000xf32, #tpu.memory_space<hbm>> -> memref<1x1x24000xf32, #tpu.memory_space<hbm>>
    %dma_start3A_32 = tpu.memref_squeeze %dma_start3A_31 : memref<1x1x24000xf32, #tpu.memory_space<hbm>> -> memref<24000xf32, #tpu.memory_space<hbm>>
    %dma_start3A_33 = arith.constant 0 : i32
    %dma_start3A_34 = tpu.memref_slice %arg3[%select_n3A, %dma_start3A, %dma_start3A_33] : memref<4x6x24000xf32, #tpu.memory_space<hbm>> -> memref<1x1x24000xf32, #tpu.memory_space<hbm>>
    %dma_start3A_35 = tpu.memref_squeeze %dma_start3A_34 : memref<1x1x24000xf32, #tpu.memory_space<hbm>> -> memref<24000xf32, #tpu.memory_space<hbm>>
    tpu.enqueue_dma source(%dma_start3A_35 : memref<24000xf32, #tpu.memory_space<hbm>>) target(%arg10 : memref<24000xf32, #tpu.memory_space<vmem>>) target_semaphore(%arg23 : memref<!tpu.dma_semaphore, #tpu.memory_space<semaphore_mem>>)
    %dma_start3A_36 = arith.constant 0 : i32
    %dma_start3A_37 = arith.constant 0 : i32
    %dma_start3A_38 = tpu.memref_slice %arg4[%select_n3A, %dma_start3A_36, %dma_start3A_37] : memref<4x1x24000xi32, #tpu.memory_space<hbm>> -> memref<1x1x24000xi32, #tpu.memory_space<hbm>>
    %dma_start3A_39 = tpu.memref_squeeze %dma_start3A_38 : memref<1x1x24000xi32, #tpu.memory_space<hbm>> -> memref<24000xi32, #tpu.memory_space<hbm>>
    %dma_start3A_40 = arith.constant 0 : i32
    %dma_start3A_41 = tpu.memref_slice %arg4[%select_n3A, %dma_start3A_36, %dma_start3A_40] : memref<4x1x24000xi32, #tpu.memory_space<hbm>> -> memref<1x1x24000xi32, #tpu.memory_space<hbm>>
    %dma_start3A_42 = tpu.memref_squeeze %dma_start3A_41 : memref<1x1x24000xi32, #tpu.memory_space<hbm>> -> memref<24000xi32, #tpu.memory_space<hbm>>
    tpu.enqueue_dma source(%dma_start3A_42 : memref<24000xi32, #tpu.memory_space<hbm>>) target(%arg12 : memref<24000xi32, #tpu.memory_space<vmem>>) target_semaphore(%arg25 : memref<!tpu.dma_semaphore, #tpu.memory_space<semaphore_mem>>)
    %parallel_loop3A_43 = arith.constant 0 : i32
    %parallel_loop3A_44 = arith.constant 128 : i32
    %parallel_loop3A_45 = arith.constant 1 : i32
    scf.for %parallel_loop3A_212 = %parallel_loop3A_43 to %parallel_loop3A_44 step %parallel_loop3A_45  : i32 {
      %parallel_loop3A_213 = arith.constant 0 : i32
      %parallel_loop3A_214 = vector.broadcast %parallel_loop3A_213 : i32 to vector<16xi32>
      %parallel_loop3A_215 = arith.constant 16 : i32
      %parallel_loop3A_216 = arith.muli %parallel_loop3A_212, %parallel_loop3A_215 : i32
      %parallel_loop3A_217 = arith.index_cast %parallel_loop3A_216 : i32 to index
      %parallel_loop3A_218 = tpu.vector_load %arg19[%parallel_loop3A_217] {strides = array<i32>} : memref<2048xi32, #tpu.memory_space<vmem>>, vector<16xi32>,
      tpu.vector_store %arg19[%parallel_loop3A_217], %parallel_loop3A_214 {strides = array<i32>} : memref<2048xi32, #tpu.memory_space<vmem>>, vector<16xi32>,
    } {sc.loop_unroll_factor = 8 : i64, sc.parallel_access}
    %scan3A = arith.constant 0 : i32
    %scan3A_46 = arith.constant 0 : i32
    %scan3A_47 = arith.constant 192 : i32
    %scan3A_48 = arith.addi %scan3A_46, %scan3A_47 : i32
    %scan3A_49 = arith.constant 1 : i32
    %scan3A_50 = scf.for %scan3A_212 = %scan3A_46 to %scan3A_48 step %scan3A_49 iter_args(%scan3A_213 = %scan3A) -> (i32)  : i32 {
      %mul3A_214 = arith.constant 16 : i32
      %mul3A_215 = arith.muli %scan3A_212, %mul3A_214 : i32
      %get3A_216 = arith.index_cast %mul3A_215 : i32 to index
      %get3A_217 = tpu.vector_load %arg13[%get3A_216] {strides = array<i32>} : memref<3072xi32, #tpu.memory_space<vmem>>, vector<16xi32>,
      %and3A_218 = arith.constant 2047 : i32
      %and3A_219 = vector.broadcast %and3A_218 : i32 to vector<16xi32>
      %and3A_220 = arith.andi %get3A_217, %and3A_219 : vector<16xi32>
      %broadcast_in_dim3A_221 = arith.constant true
      %broadcast_in_dim3A_222 = vector.broadcast %broadcast_in_dim3A_221 : i1 to vector<16xi1>
      %unique3A_223, %unique3A_224 = tpu.scan_count mask(%broadcast_in_dim3A_222 : vector<16xi1>) value(%and3A_220 : vector<16xi32>) : vector<16xi1>, vector<16xi32>
      %sub3A_225 = arith.subi %unique3A_224, %sub3A_21 : vector<16xi32>
      %add3A_226 = arith.constant 1 : i32
      %add3A_227 = vector.broadcast %add3A_226 : i32 to vector<16xi32>
      %add3A_228 = arith.addi %sub3A_225, %add3A_227 : vector<16xi32>
      tpu.vector_store_idx %arg19[%and3A_220], %add3A_228 masked %unique3A_223 {add = true} : memref<2048xi32, #tpu.memory_space<vmem>>[vector<16xi32>], vector<16xi32>, vector<16xi1>
      %scan3A_229 = arith.constant 0 : i32
      scf.yield %scan3A_229 : i32
    }
    %scan3A_51 = arith.constant 192 : i32
    %scan3A_52 = arith.constant 0 : i32
    %scan3A_53 = arith.constant 0 : i32
    %scan3A_54 = arith.constant 128 : i32
    %scan3A_55 = arith.addi %scan3A_53, %scan3A_54 : i32
    %scan3A_56 = arith.constant 1 : i32
    %scan3A_57 = scf.for %scan3A_212 = %scan3A_53 to %scan3A_55 step %scan3A_56 iter_args(%scan3A_213 = %scan3A_52) -> (i32)  : i32 {
      %mul3A_214 = arith.constant 16 : i32
      %mul3A_215 = arith.muli %scan3A_212, %mul3A_214 : i32
      %get3A_216 = arith.index_cast %mul3A_215 : i32 to index
      %get3A_217 = tpu.vector_load %arg19[%get3A_216] {strides = array<i32>} : memref<2048xi32, #tpu.memory_space<vmem>>, vector<16xi32>,
      %broadcast_in_dim3A_218 = arith.constant true
      %broadcast_in_dim3A_219 = vector.broadcast %broadcast_in_dim3A_218 : i1 to vector<16xi1>
      %masked_cumsum3A = tpu.scan <sum>, %get3A_217 masked %broadcast_in_dim3A_219 : vector<16xi32>, vector<16xi1> -> vector<16xi32>
      %sub3A_220 = arith.subi %masked_cumsum3A, %get3A_217 : vector<16xi32>
      %add3A_221 = vector.broadcast %scan3A_213 : i32 to vector<16xi32>
      %add3A_222 = arith.addi %sub3A_220, %add3A_221 : vector<16xi32>
      %mul3A_223 = arith.constant 16 : i32
      %mul3A_224 = arith.muli %scan3A_212, %mul3A_223 : i32
      %swap3A = arith.index_cast %mul3A_224 : i32 to index
      %swap3A_225 = tpu.vector_load %arg20[%swap3A] {strides = array<i32>} : memref<2048xi32, #tpu.memory_space<vmem>>, vector<16xi32>,
      tpu.vector_store %arg20[%swap3A], %add3A_222 {strides = array<i32>} : memref<2048xi32, #tpu.memory_space<vmem>>, vector<16xi32>,
      %reduce_sum3A = arith.constant true
      %reduce_sum3A_226 = vector.broadcast %reduce_sum3A : i1 to vector<16xi1>
      %reduce_sum3A_227 = tpu.scan <sum>, %get3A_217 masked %reduce_sum3A_226 : vector<16xi32>, vector<16xi1> -> vector<16xi32>
      %reduce_sum3A_228 = vector.extract %reduce_sum3A_227[15] : i32 from vector<16xi32>
      %add3A_229 = arith.addi %scan3A_213, %reduce_sum3A_228 : i32
      scf.yield %add3A_229 : i32
    }
    %scan3A_58 = arith.constant 128 : i32
    %parallel_loop3A_59 = arith.constant 0 : i32
    %parallel_loop3A_60 = arith.constant 128 : i32
    %parallel_loop3A_61 = arith.constant 1 : i32
    scf.for %parallel_loop3A_212 = %parallel_loop3A_59 to %parallel_loop3A_60 step %parallel_loop3A_61  : i32 {
      %parallel_loop3A_213 = arith.constant 0 : i32
      %parallel_loop3A_214 = vector.broadcast %parallel_loop3A_213 : i32 to vector<16xi32>
      %parallel_loop3A_215 = arith.constant 16 : i32
      %parallel_loop3A_216 = arith.muli %parallel_loop3A_212, %parallel_loop3A_215 : i32
      %parallel_loop3A_217 = arith.index_cast %parallel_loop3A_216 : i32 to index
      %parallel_loop3A_218 = tpu.vector_load %arg19[%parallel_loop3A_217] {strides = array<i32>} : memref<2048xi32, #tpu.memory_space<vmem>>, vector<16xi32>,
      tpu.vector_store %arg19[%parallel_loop3A_217], %parallel_loop3A_214 {strides = array<i32>} : memref<2048xi32, #tpu.memory_space<vmem>>, vector<16xi32>,
    } {sc.loop_unroll_factor = 8 : i64, sc.parallel_access}
    %scan3A_62 = arith.constant 0 : i32
    %scan3A_63 = arith.constant 0 : i32
    %scan3A_64 = arith.constant 192 : i32
    %scan3A_65 = arith.addi %scan3A_63, %scan3A_64 : i32
    %scan3A_66 = arith.constant 1 : i32
    %scan3A_67 = scf.for %scan3A_212 = %scan3A_63 to %scan3A_65 step %scan3A_66 iter_args(%scan3A_213 = %scan3A_62) -> (i32)  : i32 {
      %mul3A_214 = arith.constant 16 : i32
      %mul3A_215 = arith.muli %scan3A_212, %mul3A_214 : i32
      %get3A_216 = arith.index_cast %mul3A_215 : i32 to index
      %get3A_217 = tpu.vector_load %arg13[%get3A_216] {strides = array<i32>} : memref<3072xi32, #tpu.memory_space<vmem>>, vector<16xi32>,
      %mul3A_218 = arith.constant 16 : i32
      %mul3A_219 = arith.muli %scan3A_212, %mul3A_218 : i32
      %get3A_220 = arith.index_cast %mul3A_219 : i32 to index
      %get3A_221 = tpu.vector_load %arg14[%get3A_220] {strides = array<i32>} : memref<3072xi32, #tpu.memory_space<vmem>>, vector<16xi32>,
      %shift_right_logical3A = arith.constant 0 : i32
      %shift_right_logical3A_222 = vector.broadcast %shift_right_logical3A : i32 to vector<16xi32>
      %shift_right_logical3A_223 = arith.shrui %get3A_217, %shift_right_logical3A_222 : vector<16xi32>
      %and3A_224 = arith.constant 2047 : i32
      %and3A_225 = vector.broadcast %and3A_224 : i32 to vector<16xi32>
      %and3A_226 = arith.andi %shift_right_logical3A_223, %and3A_225 : vector<16xi32>
      %gather3A = tpu.vector_load_idx %arg20[%and3A_226] : memref<2048xi32, #tpu.memory_space<vmem>>[vector<16xi32>], vector<16xi32>,
      %broadcast_in_dim3A_227 = arith.constant true
      %broadcast_in_dim3A_228 = vector.broadcast %broadcast_in_dim3A_227 : i1 to vector<16xi1>
      %unique3A_229, %unique3A_230 = tpu.scan_count mask(%broadcast_in_dim3A_228 : vector<16xi1>) value(%and3A_226 : vector<16xi32>) : vector<16xi1>, vector<16xi32>
      %sub3A_231 = arith.subi %unique3A_230, %sub3A_21 : vector<16xi32>
      %add3A_232 = arith.addi %gather3A, %sub3A_231 : vector<16xi32>
      tpu.vector_store_idx %arg15[%add3A_232], %get3A_217 : memref<3072xi32, #tpu.memory_space<vmem>>[vector<16xi32>], vector<16xi32>,
      tpu.vector_store_idx %arg16[%add3A_232], %get3A_221 : memref<3072xi32, #tpu.memory_space<vmem>>[vector<16xi32>], vector<16xi32>,
      %add3A_233 = arith.constant 1 : i32
      %add3A_234 = vector.broadcast %add3A_233 : i32 to vector<16xi32>
      %add3A_235 = arith.addi %sub3A_231, %add3A_234 : vector<16xi32>
      tpu.vector_store_idx %arg20[%and3A_226], %add3A_235 masked %unique3A_229 {add = true} : memref<2048xi32, #tpu.memory_space<vmem>>[vector<16xi32>], vector<16xi32>, vector<16xi1>
      %shift_right_logical3A_236 = arith.constant 11 : i32
      %shift_right_logical3A_237 = vector.broadcast %shift_right_logical3A_236 : i32 to vector<16xi32>
      %shift_right_logical3A_238 = arith.shrui %get3A_217, %shift_right_logical3A_237 : vector<16xi32>
      %and3A_239 = arith.constant 2047 : i32
      %and3A_240 = vector.broadcast %and3A_239 : i32 to vector<16xi32>
      %and3A_241 = arith.andi %shift_right_logical3A_238, %and3A_240 : vector<16xi32>
      %broadcast_in_dim3A_242 = arith.constant true
      %broadcast_in_dim3A_243 = vector.broadcast %broadcast_in_dim3A_242 : i1 to vector<16xi1>
      %unique3A_244, %unique3A_245 = tpu.scan_count mask(%broadcast_in_dim3A_243 : vector<16xi1>) value(%and3A_241 : vector<16xi32>) : vector<16xi1>, vector<16xi32>
      %sub3A_246 = arith.subi %unique3A_245, %sub3A_21 : vector<16xi32>
      %add3A_247 = arith.constant 1 : i32
      %add3A_248 = vector.broadcast %add3A_247 : i32 to vector<16xi32>
      %add3A_249 = arith.addi %sub3A_246, %add3A_248 : vector<16xi32>
      tpu.vector_store_idx %arg19[%and3A_241], %add3A_249 masked %unique3A_244 {add = true} : memref<2048xi32, #tpu.memory_space<vmem>>[vector<16xi32>], vector<16xi32>, vector<16xi1>
      %scan3A_250 = arith.constant 0 : i32
      scf.yield %scan3A_250 : i32
    }
    %scan3A_68 = arith.constant 192 : i32
    %scan3A_69 = arith.constant 0 : i32
    %scan3A_70 = arith.constant 0 : i32
    %scan3A_71 = arith.constant 128 : i32
    %scan3A_72 = arith.addi %scan3A_70, %scan3A_71 : i32
    %scan3A_73 = arith.constant 1 : i32
    %scan3A_74 = scf.for %scan3A_212 = %scan3A_70 to %scan3A_72 step %scan3A_73 iter_args(%scan3A_213 = %scan3A_69) -> (i32)  : i32 {
      %mul3A_214 = arith.constant 16 : i32
      %mul3A_215 = arith.muli %scan3A_212, %mul3A_214 : i32
      %get3A_216 = arith.index_cast %mul3A_215 : i32 to index
      %get3A_217 = tpu.vector_load %arg19[%get3A_216] {strides = array<i32>} : memref<2048xi32, #tpu.memory_space<vmem>>, vector<16xi32>,
      %broadcast_in_dim3A_218 = arith.constant true
      %broadcast_in_dim3A_219 = vector.broadcast %broadcast_in_dim3A_218 : i1 to vector<16xi1>
      %masked_cumsum3A = tpu.scan <sum>, %get3A_217 masked %broadcast_in_dim3A_219 : vector<16xi32>, vector<16xi1> -> vector<16xi32>
      %sub3A_220 = arith.subi %masked_cumsum3A, %get3A_217 : vector<16xi32>
      %add3A_221 = vector.broadcast %scan3A_213 : i32 to vector<16xi32>
      %add3A_222 = arith.addi %sub3A_220, %add3A_221 : vector<16xi32>
      %mul3A_223 = arith.constant 16 : i32
      %mul3A_224 = arith.muli %scan3A_212, %mul3A_223 : i32
      %swap3A = arith.index_cast %mul3A_224 : i32 to index
      %swap3A_225 = tpu.vector_load %arg20[%swap3A] {strides = array<i32>} : memref<2048xi32, #tpu.memory_space<vmem>>, vector<16xi32>,
      tpu.vector_store %arg20[%swap3A], %add3A_222 {strides = array<i32>} : memref<2048xi32, #tpu.memory_space<vmem>>, vector<16xi32>,
      %reduce_sum3A = arith.constant true
      %reduce_sum3A_226 = vector.broadcast %reduce_sum3A : i1 to vector<16xi1>
      %reduce_sum3A_227 = tpu.scan <sum>, %get3A_217 masked %reduce_sum3A_226 : vector<16xi32>, vector<16xi1> -> vector<16xi32>
      %reduce_sum3A_228 = vector.extract %reduce_sum3A_227[15] : i32 from vector<16xi32>
      %add3A_229 = arith.addi %scan3A_213, %reduce_sum3A_228 : i32
      scf.yield %add3A_229 : i32
    }
    %scan3A_75 = arith.constant 128 : i32
    %parallel_loop3A_76 = arith.constant 0 : i32
    %parallel_loop3A_77 = arith.constant 128 : i32
    %parallel_loop3A_78 = arith.constant 1 : i32
    scf.for %parallel_loop3A_212 = %parallel_loop3A_76 to %parallel_loop3A_77 step %parallel_loop3A_78  : i32 {
      %parallel_loop3A_213 = arith.constant 0 : i32
      %parallel_loop3A_214 = vector.broadcast %parallel_loop3A_213 : i32 to vector<16xi32>
      %parallel_loop3A_215 = arith.constant 16 : i32
      %parallel_loop3A_216 = arith.muli %parallel_loop3A_212, %parallel_loop3A_215 : i32
      %parallel_loop3A_217 = arith.index_cast %parallel_loop3A_216 : i32 to index
      %parallel_loop3A_218 = tpu.vector_load %arg19[%parallel_loop3A_217] {strides = array<i32>} : memref<2048xi32, #tpu.memory_space<vmem>>, vector<16xi32>,
      tpu.vector_store %arg19[%parallel_loop3A_217], %parallel_loop3A_214 {strides = array<i32>} : memref<2048xi32, #tpu.memory_space<vmem>>, vector<16xi32>,
    } {sc.loop_unroll_factor = 8 : i64, sc.parallel_access}
    %scan3A_79 = arith.constant 0 : i32
    %scan3A_80 = arith.constant 0 : i32
    %scan3A_81 = arith.constant 192 : i32
    %scan3A_82 = arith.addi %scan3A_80, %scan3A_81 : i32
    %scan3A_83 = arith.constant 1 : i32
    %scan3A_84 = scf.for %scan3A_212 = %scan3A_80 to %scan3A_82 step %scan3A_83 iter_args(%scan3A_213 = %scan3A_79) -> (i32)  : i32 {
      %mul3A_214 = arith.constant 16 : i32
      %mul3A_215 = arith.muli %scan3A_212, %mul3A_214 : i32
      %get3A_216 = arith.index_cast %mul3A_215 : i32 to index
      %get3A_217 = tpu.vector_load %arg15[%get3A_216] {strides = array<i32>} : memref<3072xi32, #tpu.memory_space<vmem>>, vector<16xi32>,
      %mul3A_218 = arith.constant 16 : i32
      %mul3A_219 = arith.muli %scan3A_212, %mul3A_218 : i32
      %get3A_220 = arith.index_cast %mul3A_219 : i32 to index
      %get3A_221 = tpu.vector_load %arg16[%get3A_220] {strides = array<i32>} : memref<3072xi32, #tpu.memory_space<vmem>>, vector<16xi32>,
      %shift_right_logical3A = arith.constant 11 : i32
      %shift_right_logical3A_222 = vector.broadcast %shift_right_logical3A : i32 to vector<16xi32>
      %shift_right_logical3A_223 = arith.shrui %get3A_217, %shift_right_logical3A_222 : vector<16xi32>
      %and3A_224 = arith.constant 2047 : i32
      %and3A_225 = vector.broadcast %and3A_224 : i32 to vector<16xi32>
      %and3A_226 = arith.andi %shift_right_logical3A_223, %and3A_225 : vector<16xi32>
      %gather3A = tpu.vector_load_idx %arg20[%and3A_226] : memref<2048xi32, #tpu.memory_space<vmem>>[vector<16xi32>], vector<16xi32>,
      %broadcast_in_dim3A_227 = arith.constant true
      %broadcast_in_dim3A_228 = vector.broadcast %broadcast_in_dim3A_227 : i1 to vector<16xi1>
      %unique3A_229, %unique3A_230 = tpu.scan_count mask(%broadcast_in_dim3A_228 : vector<16xi1>) value(%and3A_226 : vector<16xi32>) : vector<16xi1>, vector<16xi32>
      %sub3A_231 = arith.subi %unique3A_230, %sub3A_21 : vector<16xi32>
      %add3A_232 = arith.addi %gather3A, %sub3A_231 : vector<16xi32>
      tpu.vector_store_idx %arg13[%add3A_232], %get3A_217 : memref<3072xi32, #tpu.memory_space<vmem>>[vector<16xi32>], vector<16xi32>,
      tpu.vector_store_idx %arg14[%add3A_232], %get3A_221 : memref<3072xi32, #tpu.memory_space<vmem>>[vector<16xi32>], vector<16xi32>,
      %add3A_233 = arith.constant 1 : i32
      %add3A_234 = vector.broadcast %add3A_233 : i32 to vector<16xi32>
      %add3A_235 = arith.addi %sub3A_231, %add3A_234 : vector<16xi32>
      tpu.vector_store_idx %arg20[%and3A_226], %add3A_235 masked %unique3A_229 {add = true} : memref<2048xi32, #tpu.memory_space<vmem>>[vector<16xi32>], vector<16xi32>, vector<16xi1>
      %shift_right_logical3A_236 = arith.constant 22 : i32
      %shift_right_logical3A_237 = vector.broadcast %shift_right_logical3A_236 : i32 to vector<16xi32>
      %shift_right_logical3A_238 = arith.shrui %get3A_217, %shift_right_logical3A_237 : vector<16xi32>
      %and3A_239 = arith.constant 2047 : i32
      %and3A_240 = vector.broadcast %and3A_239 : i32 to vector<16xi32>
      %and3A_241 = arith.andi %shift_right_logical3A_238, %and3A_240 : vector<16xi32>
      %broadcast_in_dim3A_242 = arith.constant true
      %broadcast_in_dim3A_243 = vector.broadcast %broadcast_in_dim3A_242 : i1 to vector<16xi1>
      %unique3A_244, %unique3A_245 = tpu.scan_count mask(%broadcast_in_dim3A_243 : vector<16xi1>) value(%and3A_241 : vector<16xi32>) : vector<16xi1>, vector<16xi32>
      %sub3A_246 = arith.subi %unique3A_245, %sub3A_21 : vector<16xi32>
      %add3A_247 = arith.constant 1 : i32
      %add3A_248 = vector.broadcast %add3A_247 : i32 to vector<16xi32>
      %add3A_249 = arith.addi %sub3A_246, %add3A_248 : vector<16xi32>
      tpu.vector_store_idx %arg19[%and3A_241], %add3A_249 masked %unique3A_244 {add = true} : memref<2048xi32, #tpu.memory_space<vmem>>[vector<16xi32>], vector<16xi32>, vector<16xi1>
      %scan3A_250 = arith.constant 0 : i32
      scf.yield %scan3A_250 : i32
    }
    %scan3A_85 = arith.constant 192 : i32
    %scan3A_86 = arith.constant 0 : i32
    %scan3A_87 = arith.constant 0 : i32
    %scan3A_88 = arith.constant 128 : i32
    %scan3A_89 = arith.addi %scan3A_87, %scan3A_88 : i32
    %scan3A_90 = arith.constant 1 : i32
    %scan3A_91 = scf.for %scan3A_212 = %scan3A_87 to %scan3A_89 step %scan3A_90 iter_args(%scan3A_213 = %scan3A_86) -> (i32)  : i32 {
      %mul3A_214 = arith.constant 16 : i32
      %mul3A_215 = arith.muli %scan3A_212, %mul3A_214 : i32
      %get3A_216 = arith.index_cast %mul3A_215 : i32 to index
      %get3A_217 = tpu.vector_load %arg19[%get3A_216] {strides = array<i32>} : memref<2048xi32, #tpu.memory_space<vmem>>, vector<16xi32>,
      %broadcast_in_dim3A_218 = arith.constant true
      %broadcast_in_dim3A_219 = vector.broadcast %broadcast_in_dim3A_218 : i1 to vector<16xi1>
      %masked_cumsum3A = tpu.scan <sum>, %get3A_217 masked %broadcast_in_dim3A_219 : vector<16xi32>, vector<16xi1> -> vector<16xi32>
      %sub3A_220 = arith.subi %masked_cumsum3A, %get3A_217 : vector<16xi32>
      %add3A_221 = vector.broadcast %scan3A_213 : i32 to vector<16xi32>
      %add3A_222 = arith.addi %sub3A_220, %add3A_221 : vector<16xi32>
      %mul3A_223 = arith.constant 16 : i32
      %mul3A_224 = arith.muli %scan3A_212, %mul3A_223 : i32
      %swap3A = arith.index_cast %mul3A_224 : i32 to index
      %swap3A_225 = tpu.vector_load %arg20[%swap3A] {strides = array<i32>} : memref<2048xi32, #tpu.memory_space<vmem>>, vector<16xi32>,
      tpu.vector_store %arg20[%swap3A], %add3A_222 {strides = array<i32>} : memref<2048xi32, #tpu.memory_space<vmem>>, vector<16xi32>,
      %reduce_sum3A = arith.constant true
      %reduce_sum3A_226 = vector.broadcast %reduce_sum3A : i1 to vector<16xi1>
      %reduce_sum3A_227 = tpu.scan <sum>, %get3A_217 masked %reduce_sum3A_226 : vector<16xi32>, vector<16xi1> -> vector<16xi32>
      %reduce_sum3A_228 = vector.extract %reduce_sum3A_227[15] : i32 from vector<16xi32>
      %add3A_229 = arith.addi %scan3A_213, %reduce_sum3A_228 : i32
      scf.yield %add3A_229 : i32
    }
    %scan3A_92 = arith.constant 128 : i32
    %parallel_loop3A_93 = arith.constant 0 : i32
    %parallel_loop3A_94 = arith.constant 128 : i32
    %parallel_loop3A_95 = arith.constant 1 : i32
    scf.for %parallel_loop3A_212 = %parallel_loop3A_93 to %parallel_loop3A_94 step %parallel_loop3A_95  : i32 {
      %parallel_loop3A_213 = arith.constant 0 : i32
      %parallel_loop3A_214 = vector.broadcast %parallel_loop3A_213 : i32 to vector<16xi32>
      %parallel_loop3A_215 = arith.constant 16 : i32
      %parallel_loop3A_216 = arith.muli %parallel_loop3A_212, %parallel_loop3A_215 : i32
      %parallel_loop3A_217 = arith.index_cast %parallel_loop3A_216 : i32 to index
      %parallel_loop3A_218 = tpu.vector_load %arg19[%parallel_loop3A_217] {strides = array<i32>} : memref<2048xi32, #tpu.memory_space<vmem>>, vector<16xi32>,
      tpu.vector_store %arg19[%parallel_loop3A_217], %parallel_loop3A_214 {strides = array<i32>} : memref<2048xi32, #tpu.memory_space<vmem>>, vector<16xi32>,
    } {sc.loop_unroll_factor = 8 : i64, sc.parallel_access}
    %scan3A_96 = arith.constant 0 : i32
    %scan3A_97 = arith.constant 0 : i32
    %scan3A_98 = arith.constant 192 : i32
    %scan3A_99 = arith.addi %scan3A_97, %scan3A_98 : i32
    %scan3A_100 = arith.constant 1 : i32
    %scan3A_101 = scf.for %scan3A_212 = %scan3A_97 to %scan3A_99 step %scan3A_100 iter_args(%scan3A_213 = %scan3A_96) -> (i32)  : i32 {
      %mul3A_214 = arith.constant 16 : i32
      %mul3A_215 = arith.muli %scan3A_212, %mul3A_214 : i32
      %get3A_216 = arith.index_cast %mul3A_215 : i32 to index
      %get3A_217 = tpu.vector_load %arg13[%get3A_216] {strides = array<i32>} : memref<3072xi32, #tpu.memory_space<vmem>>, vector<16xi32>,
      %mul3A_218 = arith.constant 16 : i32
      %mul3A_219 = arith.muli %scan3A_212, %mul3A_218 : i32
      %get3A_220 = arith.index_cast %mul3A_219 : i32 to index
      %get3A_221 = tpu.vector_load %arg14[%get3A_220] {strides = array<i32>} : memref<3072xi32, #tpu.memory_space<vmem>>, vector<16xi32>,
      %shift_right_logical3A = arith.constant 22 : i32
      %shift_right_logical3A_222 = vector.broadcast %shift_right_logical3A : i32 to vector<16xi32>
      %shift_right_logical3A_223 = arith.shrui %get3A_217, %shift_right_logical3A_222 : vector<16xi32>
      %and3A_224 = arith.constant 2047 : i32
      %and3A_225 = vector.broadcast %and3A_224 : i32 to vector<16xi32>
      %and3A_226 = arith.andi %shift_right_logical3A_223, %and3A_225 : vector<16xi32>
      %gather3A = tpu.vector_load_idx %arg20[%and3A_226] : memref<2048xi32, #tpu.memory_space<vmem>>[vector<16xi32>], vector<16xi32>,
      %broadcast_in_dim3A_227 = arith.constant true
      %broadcast_in_dim3A_228 = vector.broadcast %broadcast_in_dim3A_227 : i1 to vector<16xi1>
      %unique3A_229, %unique3A_230 = tpu.scan_count mask(%broadcast_in_dim3A_228 : vector<16xi1>) value(%and3A_226 : vector<16xi32>) : vector<16xi1>, vector<16xi32>
      %sub3A_231 = arith.subi %unique3A_230, %sub3A_21 : vector<16xi32>
      %add3A_232 = arith.addi %gather3A, %sub3A_231 : vector<16xi32>
      tpu.vector_store_idx %arg15[%add3A_232], %get3A_217 : memref<3072xi32, #tpu.memory_space<vmem>>[vector<16xi32>], vector<16xi32>,
      tpu.vector_store_idx %arg16[%add3A_232], %get3A_221 : memref<3072xi32, #tpu.memory_space<vmem>>[vector<16xi32>], vector<16xi32>,
      %add3A_233 = arith.constant 1 : i32
      %add3A_234 = vector.broadcast %add3A_233 : i32 to vector<16xi32>
      %add3A_235 = arith.addi %sub3A_231, %add3A_234 : vector<16xi32>
      tpu.vector_store_idx %arg20[%and3A_226], %add3A_235 masked %unique3A_229 {add = true} : memref<2048xi32, #tpu.memory_space<vmem>>[vector<16xi32>], vector<16xi32>, vector<16xi1>
      %scan3A_236 = arith.constant 0 : i32
      scf.yield %scan3A_236 : i32
    }
    %scan3A_102 = arith.constant 192 : i32
    "tpu.region"() ({
      %run_scoped3A_212 = tpu.sem_alloc : memref<!tpu.dma_semaphore, #tpu.memory_space<semaphore_mem>>
      %dma_start3A_213 = arith.constant 0 : i32
      %dma_start3A_214 = tpu.memref_slice %arg7[%add3A, %dma_start3A_213] : memref<32x3072xi32, #tpu.memory_space<hbm>> -> memref<1x3072xi32, #tpu.memory_space<hbm>>
      %dma_start3A_215 = tpu.memref_squeeze %dma_start3A_214 : memref<1x3072xi32, #tpu.memory_space<hbm>> -> memref<3072xi32, #tpu.memory_space<hbm>>
      %dma_start3A_216 = arith.constant 0 : i32
      %dma_start3A_217 = tpu.memref_slice %arg7[%add3A, %dma_start3A_216] : memref<32x3072xi32, #tpu.memory_space<hbm>> -> memref<1x3072xi32, #tpu.memory_space<hbm>>
      %dma_start3A_218 = tpu.memref_squeeze %dma_start3A_217 : memref<1x3072xi32, #tpu.memory_space<hbm>> -> memref<3072xi32, #tpu.memory_space<hbm>>
      tpu.enqueue_dma source(%arg16 : memref<3072xi32, #tpu.memory_space<vmem>>) target(%dma_start3A_218 : memref<3072xi32, #tpu.memory_space<hbm>>) target_semaphore(%run_scoped3A_212 : memref<!tpu.dma_semaphore, #tpu.memory_space<semaphore_mem>>)
      %dma_wait3A_219 = arith.constant 0 : i32
      %dma_wait3A_220 = tpu.memref_slice %arg7[%add3A, %dma_wait3A_219] : memref<32x3072xi32, #tpu.memory_space<hbm>> -> memref<1x3072xi32, #tpu.memory_space<hbm>>
      %dma_wait3A_221 = tpu.memref_squeeze %dma_wait3A_220 : memref<1x3072xi32, #tpu.memory_space<hbm>> -> memref<3072xi32, #tpu.memory_space<hbm>>
      %dma_wait3A_222 = arith.constant 0 : i32
      %dma_wait3A_223 = tpu.memref_slice %arg7[%add3A, %dma_wait3A_222] : memref<32x3072xi32, #tpu.memory_space<hbm>> -> memref<1x3072xi32, #tpu.memory_space<hbm>>
      %dma_wait3A_224 = tpu.memref_squeeze %dma_wait3A_223 : memref<1x3072xi32, #tpu.memory_space<hbm>> -> memref<3072xi32, #tpu.memory_space<hbm>>
      tpu.wait_dma2 semaphore(%run_scoped3A_212 : memref<!tpu.dma_semaphore, #tpu.memory_space<semaphore_mem>>) src(%arg16 : memref<3072xi32, #tpu.memory_space<vmem>>) dst(%dma_wait3A_224 : memref<3072xi32, #tpu.memory_space<hbm>>)
      tpu.yield
    }) : () -> ()
    %dma_wait3A = arith.constant 0 : i32
    %dma_wait3A_103 = arith.constant 0 : i32
    %dma_wait3A_104 = tpu.memref_slice %arg3[%select_n3A, %dma_wait3A, %dma_wait3A_103] : memref<4x6x24000xf32, #tpu.memory_space<hbm>> -> memref<1x1x24000xf32, #tpu.memory_space<hbm>>
    %dma_wait3A_105 = tpu.memref_squeeze %dma_wait3A_104 : memref<1x1x24000xf32, #tpu.memory_space<hbm>> -> memref<24000xf32, #tpu.memory_space<hbm>>
    %dma_wait3A_106 = arith.constant 0 : i32
    %dma_wait3A_107 = tpu.memref_slice %arg3[%select_n3A, %dma_wait3A, %dma_wait3A_106] : memref<4x6x24000xf32, #tpu.memory_space<hbm>> -> memref<1x1x24000xf32, #tpu.memory_space<hbm>>
    %dma_wait3A_108 = tpu.memref_squeeze %dma_wait3A_107 : memref<1x1x24000xf32, #tpu.memory_space<hbm>> -> memref<24000xf32, #tpu.memory_space<hbm>>
    tpu.wait_dma2 semaphore(%arg23 : memref<!tpu.dma_semaphore, #tpu.memory_space<semaphore_mem>>) src(%dma_wait3A_108 : memref<24000xf32, #tpu.memory_space<hbm>>) dst(%arg10 : memref<24000xf32, #tpu.memory_space<vmem>>)
    %dma_start3A_109 = arith.constant 1 : i32
    %dma_start3A_110 = arith.constant 0 : i32
    %dma_start3A_111 = tpu.memref_slice %arg3[%select_n3A, %dma_start3A_109, %dma_start3A_110] : memref<4x6x24000xf32, #tpu.memory_space<hbm>> -> memref<1x1x24000xf32, #tpu.memory_space<hbm>>
    %dma_start3A_112 = tpu.memref_squeeze %dma_start3A_111 : memref<1x1x24000xf32, #tpu.memory_space<hbm>> -> memref<24000xf32, #tpu.memory_space<hbm>>
    %dma_start3A_113 = arith.constant 0 : i32
    %dma_start3A_114 = tpu.memref_slice %arg3[%select_n3A, %dma_start3A_109, %dma_start3A_113] : memref<4x6x24000xf32, #tpu.memory_space<hbm>> -> memref<1x1x24000xf32, #tpu.memory_space<hbm>>
    %dma_start3A_115 = tpu.memref_squeeze %dma_start3A_114 : memref<1x1x24000xf32, #tpu.memory_space<hbm>> -> memref<24000xf32, #tpu.memory_space<hbm>>
    tpu.enqueue_dma source(%dma_start3A_115 : memref<24000xf32, #tpu.memory_space<hbm>>) target(%arg11 : memref<24000xf32, #tpu.memory_space<vmem>>) target_semaphore(%arg24 : memref<!tpu.dma_semaphore, #tpu.memory_space<semaphore_mem>>)
    %parallel_loop3A_116 = arith.constant 0 : i32
    %parallel_loop3A_117 = arith.constant 192 : i32
    %parallel_loop3A_118 = arith.constant 1 : i32
    scf.for %parallel_loop3A_212 = %parallel_loop3A_116 to %parallel_loop3A_117 step %parallel_loop3A_118  : i32 {
      %parallel_loop3A_213 = arith.constant 16 : i32
      %parallel_loop3A_214 = arith.muli %parallel_loop3A_212, %parallel_loop3A_213 : i32
      %parallel_loop3A_215 = arith.index_cast %parallel_loop3A_214 : i32 to index
      %parallel_loop3A_216 = tpu.vector_load %arg16[%parallel_loop3A_215] {strides = array<i32>} : memref<3072xi32, #tpu.memory_space<vmem>>, vector<16xi32>,
      %parallel_loop3A_217 = tpu.vector_load_idx %arg10[%parallel_loop3A_216] : memref<24000xf32, #tpu.memory_space<vmem>>[vector<16xi32>], vector<16xf32>,
      %parallel_loop3A_218 = arith.constant 16 : i32
      %parallel_loop3A_219 = arith.muli %parallel_loop3A_212, %parallel_loop3A_218 : i32
      %parallel_loop3A_220 = arith.index_cast %parallel_loop3A_219 : i32 to index
      %parallel_loop3A_221 = tpu.vector_load %arg17[%parallel_loop3A_220] {strides = array<i32>} : memref<3072xf32, #tpu.memory_space<vmem>>, vector<16xf32>,
      tpu.vector_store %arg17[%parallel_loop3A_220], %parallel_loop3A_217 {strides = array<i32>} : memref<3072xf32, #tpu.memory_space<vmem>>, vector<16xf32>,
    } {sc.loop_unroll_factor = 8 : i64, sc.parallel_access}
    %run_scoped3A = arith.constant 0 : i32
    "tpu.region"() ({
      %run_scoped3A_212 = tpu.sem_alloc : memref<!tpu.dma_semaphore, #tpu.memory_space<semaphore_mem>>
      %dma_start3A_213 = arith.constant 0 : i32
      %dma_start3A_214 = tpu.memref_slice %arg8[%add3A, %run_scoped3A, %dma_start3A_213] : memref<32x6x3072xf32, #tpu.memory_space<hbm>> -> memref<1x1x3072xf32, #tpu.memory_space<hbm>>
      %dma_start3A_215 = tpu.memref_squeeze %dma_start3A_214 : memref<1x1x3072xf32, #tpu.memory_space<hbm>> -> memref<3072xf32, #tpu.memory_space<hbm>>
      %dma_start3A_216 = arith.constant 0 : i32
      %dma_start3A_217 = tpu.memref_slice %arg8[%add3A, %run_scoped3A, %dma_start3A_216] : memref<32x6x3072xf32, #tpu.memory_space<hbm>> -> memref<1x1x3072xf32, #tpu.memory_space<hbm>>
      %dma_start3A_218 = tpu.memref_squeeze %dma_start3A_217 : memref<1x1x3072xf32, #tpu.memory_space<hbm>> -> memref<3072xf32, #tpu.memory_space<hbm>>
      tpu.enqueue_dma source(%arg17 : memref<3072xf32, #tpu.memory_space<vmem>>) target(%dma_start3A_218 : memref<3072xf32, #tpu.memory_space<hbm>>) target_semaphore(%run_scoped3A_212 : memref<!tpu.dma_semaphore, #tpu.memory_space<semaphore_mem>>)
      %dma_wait3A_219 = arith.constant 0 : i32
      %dma_wait3A_220 = tpu.memref_slice %arg8[%add3A, %run_scoped3A, %dma_wait3A_219] : memref<32x6x3072xf32, #tpu.memory_space<hbm>> -> memref<1x1x3072xf32, #tpu.memory_space<hbm>>
      %dma_wait3A_221 = tpu.memref_squeeze %dma_wait3A_220 : memref<1x1x3072xf32, #tpu.memory_space<hbm>> -> memref<3072xf32, #tpu.memory_space<hbm>>
      %dma_wait3A_222 = arith.constant 0 : i32
      %dma_wait3A_223 = tpu.memref_slice %arg8[%add3A, %run_scoped3A, %dma_wait3A_222] : memref<32x6x3072xf32, #tpu.memory_space<hbm>> -> memref<1x1x3072xf32, #tpu.memory_space<hbm>>
      %dma_wait3A_224 = tpu.memref_squeeze %dma_wait3A_223 : memref<1x1x3072xf32, #tpu.memory_space<hbm>> -> memref<3072xf32, #tpu.memory_space<hbm>>
      tpu.wait_dma2 semaphore(%run_scoped3A_212 : memref<!tpu.dma_semaphore, #tpu.memory_space<semaphore_mem>>) src(%arg17 : memref<3072xf32, #tpu.memory_space<vmem>>) dst(%dma_wait3A_224 : memref<3072xf32, #tpu.memory_space<hbm>>)
      tpu.yield
    }) : () -> ()
    %dma_wait3A_119 = arith.constant 1 : i32
    %dma_wait3A_120 = arith.constant 0 : i32
    %dma_wait3A_121 = tpu.memref_slice %arg3[%select_n3A, %dma_wait3A_119, %dma_wait3A_120] : memref<4x6x24000xf32, #tpu.memory_space<hbm>> -> memref<1x1x24000xf32, #tpu.memory_space<hbm>>
    %dma_wait3A_122 = tpu.memref_squeeze %dma_wait3A_121 : memref<1x1x24000xf32, #tpu.memory_space<hbm>> -> memref<24000xf32, #tpu.memory_space<hbm>>
    %dma_wait3A_123 = arith.constant 0 : i32
    %dma_wait3A_124 = tpu.memref_slice %arg3[%select_n3A, %dma_wait3A_119, %dma_wait3A_123] : memref<4x6x24000xf32, #tpu.memory_space<hbm>> -> memref<1x1x24000xf32, #tpu.memory_space<hbm>>
    %dma_wait3A_125 = tpu.memref_squeeze %dma_wait3A_124 : memref<1x1x24000xf32, #tpu.memory_space<hbm>> -> memref<24000xf32, #tpu.memory_space<hbm>>
    tpu.wait_dma2 semaphore(%arg24 : memref<!tpu.dma_semaphore, #tpu.memory_space<semaphore_mem>>) src(%dma_wait3A_125 : memref<24000xf32, #tpu.memory_space<hbm>>) dst(%arg11 : memref<24000xf32, #tpu.memory_space<vmem>>)
    %dma_start3A_126 = arith.constant 2 : i32
    %dma_start3A_127 = arith.constant 0 : i32
    %dma_start3A_128 = tpu.memref_slice %arg3[%select_n3A, %dma_start3A_126, %dma_start3A_127] : memref<4x6x24000xf32, #tpu.memory_space<hbm>> -> memref<1x1x24000xf32, #tpu.memory_space<hbm>>
    %dma_start3A_129 = tpu.memref_squeeze %dma_start3A_128 : memref<1x1x24000xf32, #tpu.memory_space<hbm>> -> memref<24000xf32, #tpu.memory_space<hbm>>
    %dma_start3A_130 = arith.constant 0 : i32
    %dma_start3A_131 = tpu.memref_slice %arg3[%select_n3A, %dma_start3A_126, %dma_start3A_130] : memref<4x6x24000xf32, #tpu.memory_space<hbm>> -> memref<1x1x24000xf32, #tpu.memory_space<hbm>>
    %dma_start3A_132 = tpu.memref_squeeze %dma_start3A_131 : memref<1x1x24000xf32, #tpu.memory_space<hbm>> -> memref<24000xf32, #tpu.memory_space<hbm>>
    tpu.enqueue_dma source(%dma_start3A_132 : memref<24000xf32, #tpu.memory_space<hbm>>) target(%arg10 : memref<24000xf32, #tpu.memory_space<vmem>>) target_semaphore(%arg23 : memref<!tpu.dma_semaphore, #tpu.memory_space<semaphore_mem>>)
    %parallel_loop3A_133 = arith.constant 0 : i32
    %parallel_loop3A_134 = arith.constant 192 : i32
    %parallel_loop3A_135 = arith.constant 1 : i32
    scf.for %parallel_loop3A_212 = %parallel_loop3A_133 to %parallel_loop3A_134 step %parallel_loop3A_135  : i32 {
      %parallel_loop3A_213 = arith.constant 16 : i32
      %parallel_loop3A_214 = arith.muli %parallel_loop3A_212, %parallel_loop3A_213 : i32
      %parallel_loop3A_215 = arith.index_cast %parallel_loop3A_214 : i32 to index
      %parallel_loop3A_216 = tpu.vector_load %arg16[%parallel_loop3A_215] {strides = array<i32>} : memref<3072xi32, #tpu.memory_space<vmem>>, vector<16xi32>,
      %parallel_loop3A_217 = tpu.vector_load_idx %arg11[%parallel_loop3A_216] : memref<24000xf32, #tpu.memory_space<vmem>>[vector<16xi32>], vector<16xf32>,
      %parallel_loop3A_218 = arith.constant 16 : i32
      %parallel_loop3A_219 = arith.muli %parallel_loop3A_212, %parallel_loop3A_218 : i32
      %parallel_loop3A_220 = arith.index_cast %parallel_loop3A_219 : i32 to index
      %parallel_loop3A_221 = tpu.vector_load %arg17[%parallel_loop3A_220] {strides = array<i32>} : memref<3072xf32, #tpu.memory_space<vmem>>, vector<16xf32>,
      tpu.vector_store %arg17[%parallel_loop3A_220], %parallel_loop3A_217 {strides = array<i32>} : memref<3072xf32, #tpu.memory_space<vmem>>, vector<16xf32>,
    } {sc.loop_unroll_factor = 8 : i64, sc.parallel_access}
    %run_scoped3A_136 = arith.constant 1 : i32
    "tpu.region"() ({
      %run_scoped3A_212 = tpu.sem_alloc : memref<!tpu.dma_semaphore, #tpu.memory_space<semaphore_mem>>
      %dma_start3A_213 = arith.constant 0 : i32
      %dma_start3A_214 = tpu.memref_slice %arg8[%add3A, %run_scoped3A_136, %dma_start3A_213] : memref<32x6x3072xf32, #tpu.memory_space<hbm>> -> memref<1x1x3072xf32, #tpu.memory_space<hbm>>
      %dma_start3A_215 = tpu.memref_squeeze %dma_start3A_214 : memref<1x1x3072xf32, #tpu.memory_space<hbm>> -> memref<3072xf32, #tpu.memory_space<hbm>>
      %dma_start3A_216 = arith.constant 0 : i32
      %dma_start3A_217 = tpu.memref_slice %arg8[%add3A, %run_scoped3A_136, %dma_start3A_216] : memref<32x6x3072xf32, #tpu.memory_space<hbm>> -> memref<1x1x3072xf32, #tpu.memory_space<hbm>>
      %dma_start3A_218 = tpu.memref_squeeze %dma_start3A_217 : memref<1x1x3072xf32, #tpu.memory_space<hbm>> -> memref<3072xf32, #tpu.memory_space<hbm>>
      tpu.enqueue_dma source(%arg17 : memref<3072xf32, #tpu.memory_space<vmem>>) target(%dma_start3A_218 : memref<3072xf32, #tpu.memory_space<hbm>>) target_semaphore(%run_scoped3A_212 : memref<!tpu.dma_semaphore, #tpu.memory_space<semaphore_mem>>)
      %dma_wait3A_219 = arith.constant 0 : i32
      %dma_wait3A_220 = tpu.memref_slice %arg8[%add3A, %run_scoped3A_136, %dma_wait3A_219] : memref<32x6x3072xf32, #tpu.memory_space<hbm>> -> memref<1x1x3072xf32, #tpu.memory_space<hbm>>
      %dma_wait3A_221 = tpu.memref_squeeze %dma_wait3A_220 : memref<1x1x3072xf32, #tpu.memory_space<hbm>> -> memref<3072xf32, #tpu.memory_space<hbm>>
      %dma_wait3A_222 = arith.constant 0 : i32
      %dma_wait3A_223 = tpu.memref_slice %arg8[%add3A, %run_scoped3A_136, %dma_wait3A_222] : memref<32x6x3072xf32, #tpu.memory_space<hbm>> -> memref<1x1x3072xf32, #tpu.memory_space<hbm>>
      %dma_wait3A_224 = tpu.memref_squeeze %dma_wait3A_223 : memref<1x1x3072xf32, #tpu.memory_space<hbm>> -> memref<3072xf32, #tpu.memory_space<hbm>>
      tpu.wait_dma2 semaphore(%run_scoped3A_212 : memref<!tpu.dma_semaphore, #tpu.memory_space<semaphore_mem>>) src(%arg17 : memref<3072xf32, #tpu.memory_space<vmem>>) dst(%dma_wait3A_224 : memref<3072xf32, #tpu.memory_space<hbm>>)
      tpu.yield
    }) : () -> ()
    %dma_wait3A_137 = arith.constant 2 : i32
    %dma_wait3A_138 = arith.constant 0 : i32
    %dma_wait3A_139 = tpu.memref_slice %arg3[%select_n3A, %dma_wait3A_137, %dma_wait3A_138] : memref<4x6x24000xf32, #tpu.memory_space<hbm>> -> memref<1x1x24000xf32, #tpu.memory_space<hbm>>
    %dma_wait3A_140 = tpu.memref_squeeze %dma_wait3A_139 : memref<1x1x24000xf32, #tpu.memory_space<hbm>> -> memref<24000xf32, #tpu.memory_space<hbm>>
    %dma_wait3A_141 = arith.constant 0 : i32
    %dma_wait3A_142 = tpu.memref_slice %arg3[%select_n3A, %dma_wait3A_137, %dma_wait3A_141] : memref<4x6x24000xf32, #tpu.memory_space<hbm>> -> memref<1x1x24000xf32, #tpu.memory_space<hbm>>
    %dma_wait3A_143 = tpu.memref_squeeze %dma_wait3A_142 : memref<1x1x24000xf32, #tpu.memory_space<hbm>> -> memref<24000xf32, #tpu.memory_space<hbm>>
    tpu.wait_dma2 semaphore(%arg23 : memref<!tpu.dma_semaphore, #tpu.memory_space<semaphore_mem>>) src(%dma_wait3A_143 : memref<24000xf32, #tpu.memory_space<hbm>>) dst(%arg10 : memref<24000xf32, #tpu.memory_space<vmem>>)
    %dma_start3A_144 = arith.constant 3 : i32
    %dma_start3A_145 = arith.constant 0 : i32
    %dma_start3A_146 = tpu.memref_slice %arg3[%select_n3A, %dma_start3A_144, %dma_start3A_145] : memref<4x6x24000xf32, #tpu.memory_space<hbm>> -> memref<1x1x24000xf32, #tpu.memory_space<hbm>>
    %dma_start3A_147 = tpu.memref_squeeze %dma_start3A_146 : memref<1x1x24000xf32, #tpu.memory_space<hbm>> -> memref<24000xf32, #tpu.memory_space<hbm>>
    %dma_start3A_148 = arith.constant 0 : i32
    %dma_start3A_149 = tpu.memref_slice %arg3[%select_n3A, %dma_start3A_144, %dma_start3A_148] : memref<4x6x24000xf32, #tpu.memory_space<hbm>> -> memref<1x1x24000xf32, #tpu.memory_space<hbm>>
    %dma_start3A_150 = tpu.memref_squeeze %dma_start3A_149 : memref<1x1x24000xf32, #tpu.memory_space<hbm>> -> memref<24000xf32, #tpu.memory_space<hbm>>
    tpu.enqueue_dma source(%dma_start3A_150 : memref<24000xf32, #tpu.memory_space<hbm>>) target(%arg11 : memref<24000xf32, #tpu.memory_space<vmem>>) target_semaphore(%arg24 : memref<!tpu.dma_semaphore, #tpu.memory_space<semaphore_mem>>)
    %parallel_loop3A_151 = arith.constant 0 : i32
    %parallel_loop3A_152 = arith.constant 192 : i32
    %parallel_loop3A_153 = arith.constant 1 : i32
    scf.for %parallel_loop3A_212 = %parallel_loop3A_151 to %parallel_loop3A_152 step %parallel_loop3A_153  : i32 {
      %parallel_loop3A_213 = arith.constant 16 : i32
      %parallel_loop3A_214 = arith.muli %parallel_loop3A_212, %parallel_loop3A_213 : i32
      %parallel_loop3A_215 = arith.index_cast %parallel_loop3A_214 : i32 to index
      %parallel_loop3A_216 = tpu.vector_load %arg16[%parallel_loop3A_215] {strides = array<i32>} : memref<3072xi32, #tpu.memory_space<vmem>>, vector<16xi32>,
      %parallel_loop3A_217 = tpu.vector_load_idx %arg10[%parallel_loop3A_216] : memref<24000xf32, #tpu.memory_space<vmem>>[vector<16xi32>], vector<16xf32>,
      %parallel_loop3A_218 = arith.constant 16 : i32
      %parallel_loop3A_219 = arith.muli %parallel_loop3A_212, %parallel_loop3A_218 : i32
      %parallel_loop3A_220 = arith.index_cast %parallel_loop3A_219 : i32 to index
      %parallel_loop3A_221 = tpu.vector_load %arg17[%parallel_loop3A_220] {strides = array<i32>} : memref<3072xf32, #tpu.memory_space<vmem>>, vector<16xf32>,
      tpu.vector_store %arg17[%parallel_loop3A_220], %parallel_loop3A_217 {strides = array<i32>} : memref<3072xf32, #tpu.memory_space<vmem>>, vector<16xf32>,
    } {sc.loop_unroll_factor = 8 : i64, sc.parallel_access}
    %run_scoped3A_154 = arith.constant 2 : i32
    "tpu.region"() ({
      %run_scoped3A_212 = tpu.sem_alloc : memref<!tpu.dma_semaphore, #tpu.memory_space<semaphore_mem>>
      %dma_start3A_213 = arith.constant 0 : i32
      %dma_start3A_214 = tpu.memref_slice %arg8[%add3A, %run_scoped3A_154, %dma_start3A_213] : memref<32x6x3072xf32, #tpu.memory_space<hbm>> -> memref<1x1x3072xf32, #tpu.memory_space<hbm>>
      %dma_start3A_215 = tpu.memref_squeeze %dma_start3A_214 : memref<1x1x3072xf32, #tpu.memory_space<hbm>> -> memref<3072xf32, #tpu.memory_space<hbm>>
      %dma_start3A_216 = arith.constant 0 : i32
      %dma_start3A_217 = tpu.memref_slice %arg8[%add3A, %run_scoped3A_154, %dma_start3A_216] : memref<32x6x3072xf32, #tpu.memory_space<hbm>> -> memref<1x1x3072xf32, #tpu.memory_space<hbm>>
      %dma_start3A_218 = tpu.memref_squeeze %dma_start3A_217 : memref<1x1x3072xf32, #tpu.memory_space<hbm>> -> memref<3072xf32, #tpu.memory_space<hbm>>
      tpu.enqueue_dma source(%arg17 : memref<3072xf32, #tpu.memory_space<vmem>>) target(%dma_start3A_218 : memref<3072xf32, #tpu.memory_space<hbm>>) target_semaphore(%run_scoped3A_212 : memref<!tpu.dma_semaphore, #tpu.memory_space<semaphore_mem>>)
      %dma_wait3A_219 = arith.constant 0 : i32
      %dma_wait3A_220 = tpu.memref_slice %arg8[%add3A, %run_scoped3A_154, %dma_wait3A_219] : memref<32x6x3072xf32, #tpu.memory_space<hbm>> -> memref<1x1x3072xf32, #tpu.memory_space<hbm>>
      %dma_wait3A_221 = tpu.memref_squeeze %dma_wait3A_220 : memref<1x1x3072xf32, #tpu.memory_space<hbm>> -> memref<3072xf32, #tpu.memory_space<hbm>>
      %dma_wait3A_222 = arith.constant 0 : i32
      %dma_wait3A_223 = tpu.memref_slice %arg8[%add3A, %run_scoped3A_154, %dma_wait3A_222] : memref<32x6x3072xf32, #tpu.memory_space<hbm>> -> memref<1x1x3072xf32, #tpu.memory_space<hbm>>
      %dma_wait3A_224 = tpu.memref_squeeze %dma_wait3A_223 : memref<1x1x3072xf32, #tpu.memory_space<hbm>> -> memref<3072xf32, #tpu.memory_space<hbm>>
      tpu.wait_dma2 semaphore(%run_scoped3A_212 : memref<!tpu.dma_semaphore, #tpu.memory_space<semaphore_mem>>) src(%arg17 : memref<3072xf32, #tpu.memory_space<vmem>>) dst(%dma_wait3A_224 : memref<3072xf32, #tpu.memory_space<hbm>>)
      tpu.yield
    }) : () -> ()
    %dma_wait3A_155 = arith.constant 3 : i32
    %dma_wait3A_156 = arith.constant 0 : i32
    %dma_wait3A_157 = tpu.memref_slice %arg3[%select_n3A, %dma_wait3A_155, %dma_wait3A_156] : memref<4x6x24000xf32, #tpu.memory_space<hbm>> -> memref<1x1x24000xf32, #tpu.memory_space<hbm>>
    %dma_wait3A_158 = tpu.memref_squeeze %dma_wait3A_157 : memref<1x1x24000xf32, #tpu.memory_space<hbm>> -> memref<24000xf32, #tpu.memory_space<hbm>>
    %dma_wait3A_159 = arith.constant 0 : i32
    %dma_wait3A_160 = tpu.memref_slice %arg3[%select_n3A, %dma_wait3A_155, %dma_wait3A_159] : memref<4x6x24000xf32, #tpu.memory_space<hbm>> -> memref<1x1x24000xf32, #tpu.memory_space<hbm>>
    %dma_wait3A_161 = tpu.memref_squeeze %dma_wait3A_160 : memref<1x1x24000xf32, #tpu.memory_space<hbm>> -> memref<24000xf32, #tpu.memory_space<hbm>>
    tpu.wait_dma2 semaphore(%arg24 : memref<!tpu.dma_semaphore, #tpu.memory_space<semaphore_mem>>) src(%dma_wait3A_161 : memref<24000xf32, #tpu.memory_space<hbm>>) dst(%arg11 : memref<24000xf32, #tpu.memory_space<vmem>>)
    %dma_start3A_162 = arith.constant 4 : i32
    %dma_start3A_163 = arith.constant 0 : i32
    %dma_start3A_164 = tpu.memref_slice %arg3[%select_n3A, %dma_start3A_162, %dma_start3A_163] : memref<4x6x24000xf32, #tpu.memory_space<hbm>> -> memref<1x1x24000xf32, #tpu.memory_space<hbm>>
    %dma_start3A_165 = tpu.memref_squeeze %dma_start3A_164 : memref<1x1x24000xf32, #tpu.memory_space<hbm>> -> memref<24000xf32, #tpu.memory_space<hbm>>
    %dma_start3A_166 = arith.constant 0 : i32
    %dma_start3A_167 = tpu.memref_slice %arg3[%select_n3A, %dma_start3A_162, %dma_start3A_166] : memref<4x6x24000xf32, #tpu.memory_space<hbm>> -> memref<1x1x24000xf32, #tpu.memory_space<hbm>>
    %dma_start3A_168 = tpu.memref_squeeze %dma_start3A_167 : memref<1x1x24000xf32, #tpu.memory_space<hbm>> -> memref<24000xf32, #tpu.memory_space<hbm>>
    tpu.enqueue_dma source(%dma_start3A_168 : memref<24000xf32, #tpu.memory_space<hbm>>) target(%arg10 : memref<24000xf32, #tpu.memory_space<vmem>>) target_semaphore(%arg23 : memref<!tpu.dma_semaphore, #tpu.memory_space<semaphore_mem>>)
    %parallel_loop3A_169 = arith.constant 0 : i32
    %parallel_loop3A_170 = arith.constant 192 : i32
    %parallel_loop3A_171 = arith.constant 1 : i32
    scf.for %parallel_loop3A_212 = %parallel_loop3A_169 to %parallel_loop3A_170 step %parallel_loop3A_171  : i32 {
      %parallel_loop3A_213 = arith.constant 16 : i32
      %parallel_loop3A_214 = arith.muli %parallel_loop3A_212, %parallel_loop3A_213 : i32
      %parallel_loop3A_215 = arith.index_cast %parallel_loop3A_214 : i32 to index
      %parallel_loop3A_216 = tpu.vector_load %arg16[%parallel_loop3A_215] {strides = array<i32>} : memref<3072xi32, #tpu.memory_space<vmem>>, vector<16xi32>,
      %parallel_loop3A_217 = tpu.vector_load_idx %arg11[%parallel_loop3A_216] : memref<24000xf32, #tpu.memory_space<vmem>>[vector<16xi32>], vector<16xf32>,
      %parallel_loop3A_218 = arith.constant 16 : i32
      %parallel_loop3A_219 = arith.muli %parallel_loop3A_212, %parallel_loop3A_218 : i32
      %parallel_loop3A_220 = arith.index_cast %parallel_loop3A_219 : i32 to index
      %parallel_loop3A_221 = tpu.vector_load %arg17[%parallel_loop3A_220] {strides = array<i32>} : memref<3072xf32, #tpu.memory_space<vmem>>, vector<16xf32>,
      tpu.vector_store %arg17[%parallel_loop3A_220], %parallel_loop3A_217 {strides = array<i32>} : memref<3072xf32, #tpu.memory_space<vmem>>, vector<16xf32>,
    } {sc.loop_unroll_factor = 8 : i64, sc.parallel_access}
    %run_scoped3A_172 = arith.constant 3 : i32
    "tpu.region"() ({
      %run_scoped3A_212 = tpu.sem_alloc : memref<!tpu.dma_semaphore, #tpu.memory_space<semaphore_mem>>
      %dma_start3A_213 = arith.constant 0 : i32
      %dma_start3A_214 = tpu.memref_slice %arg8[%add3A, %run_scoped3A_172, %dma_start3A_213] : memref<32x6x3072xf32, #tpu.memory_space<hbm>> -> memref<1x1x3072xf32, #tpu.memory_space<hbm>>
      %dma_start3A_215 = tpu.memref_squeeze %dma_start3A_214 : memref<1x1x3072xf32, #tpu.memory_space<hbm>> -> memref<3072xf32, #tpu.memory_space<hbm>>
      %dma_start3A_216 = arith.constant 0 : i32
      %dma_start3A_217 = tpu.memref_slice %arg8[%add3A, %run_scoped3A_172, %dma_start3A_216] : memref<32x6x3072xf32, #tpu.memory_space<hbm>> -> memref<1x1x3072xf32, #tpu.memory_space<hbm>>
      %dma_start3A_218 = tpu.memref_squeeze %dma_start3A_217 : memref<1x1x3072xf32, #tpu.memory_space<hbm>> -> memref<3072xf32, #tpu.memory_space<hbm>>
      tpu.enqueue_dma source(%arg17 : memref<3072xf32, #tpu.memory_space<vmem>>) target(%dma_start3A_218 : memref<3072xf32, #tpu.memory_space<hbm>>) target_semaphore(%run_scoped3A_212 : memref<!tpu.dma_semaphore, #tpu.memory_space<semaphore_mem>>)
      %dma_wait3A_219 = arith.constant 0 : i32
      %dma_wait3A_220 = tpu.memref_slice %arg8[%add3A, %run_scoped3A_172, %dma_wait3A_219] : memref<32x6x3072xf32, #tpu.memory_space<hbm>> -> memref<1x1x3072xf32, #tpu.memory_space<hbm>>
      %dma_wait3A_221 = tpu.memref_squeeze %dma_wait3A_220 : memref<1x1x3072xf32, #tpu.memory_space<hbm>> -> memref<3072xf32, #tpu.memory_space<hbm>>
      %dma_wait3A_222 = arith.constant 0 : i32
      %dma_wait3A_223 = tpu.memref_slice %arg8[%add3A, %run_scoped3A_172, %dma_wait3A_222] : memref<32x6x3072xf32, #tpu.memory_space<hbm>> -> memref<1x1x3072xf32, #tpu.memory_space<hbm>>
      %dma_wait3A_224 = tpu.memref_squeeze %dma_wait3A_223 : memref<1x1x3072xf32, #tpu.memory_space<hbm>> -> memref<3072xf32, #tpu.memory_space<hbm>>
      tpu.wait_dma2 semaphore(%run_scoped3A_212 : memref<!tpu.dma_semaphore, #tpu.memory_space<semaphore_mem>>) src(%arg17 : memref<3072xf32, #tpu.memory_space<vmem>>) dst(%dma_wait3A_224 : memref<3072xf32, #tpu.memory_space<hbm>>)
      tpu.yield
    }) : () -> ()
    %dma_wait3A_173 = arith.constant 4 : i32
    %dma_wait3A_174 = arith.constant 0 : i32
    %dma_wait3A_175 = tpu.memref_slice %arg3[%select_n3A, %dma_wait3A_173, %dma_wait3A_174] : memref<4x6x24000xf32, #tpu.memory_space<hbm>> -> memref<1x1x24000xf32, #tpu.memory_space<hbm>>
    %dma_wait3A_176 = tpu.memref_squeeze %dma_wait3A_175 : memref<1x1x24000xf32, #tpu.memory_space<hbm>> -> memref<24000xf32, #tpu.memory_space<hbm>>
    %dma_wait3A_177 = arith.constant 0 : i32
    %dma_wait3A_178 = tpu.memref_slice %arg3[%select_n3A, %dma_wait3A_173, %dma_wait3A_177] : memref<4x6x24000xf32, #tpu.memory_space<hbm>> -> memref<1x1x24000xf32, #tpu.memory_space<hbm>>
    %dma_wait3A_179 = tpu.memref_squeeze %dma_wait3A_178 : memref<1x1x24000xf32, #tpu.memory_space<hbm>> -> memref<24000xf32, #tpu.memory_space<hbm>>
    tpu.wait_dma2 semaphore(%arg23 : memref<!tpu.dma_semaphore, #tpu.memory_space<semaphore_mem>>) src(%dma_wait3A_179 : memref<24000xf32, #tpu.memory_space<hbm>>) dst(%arg10 : memref<24000xf32, #tpu.memory_space<vmem>>)
    %dma_start3A_180 = arith.constant 5 : i32
    %dma_start3A_181 = arith.constant 0 : i32
    %dma_start3A_182 = tpu.memref_slice %arg3[%select_n3A, %dma_start3A_180, %dma_start3A_181] : memref<4x6x24000xf32, #tpu.memory_space<hbm>> -> memref<1x1x24000xf32, #tpu.memory_space<hbm>>
    %dma_start3A_183 = tpu.memref_squeeze %dma_start3A_182 : memref<1x1x24000xf32, #tpu.memory_space<hbm>> -> memref<24000xf32, #tpu.memory_space<hbm>>
    %dma_start3A_184 = arith.constant 0 : i32
    %dma_start3A_185 = tpu.memref_slice %arg3[%select_n3A, %dma_start3A_180, %dma_start3A_184] : memref<4x6x24000xf32, #tpu.memory_space<hbm>> -> memref<1x1x24000xf32, #tpu.memory_space<hbm>>
    %dma_start3A_186 = tpu.memref_squeeze %dma_start3A_185 : memref<1x1x24000xf32, #tpu.memory_space<hbm>> -> memref<24000xf32, #tpu.memory_space<hbm>>
    tpu.enqueue_dma source(%dma_start3A_186 : memref<24000xf32, #tpu.memory_space<hbm>>) target(%arg11 : memref<24000xf32, #tpu.memory_space<vmem>>) target_semaphore(%arg24 : memref<!tpu.dma_semaphore, #tpu.memory_space<semaphore_mem>>)
    %parallel_loop3A_187 = arith.constant 0 : i32
    %parallel_loop3A_188 = arith.constant 192 : i32
    %parallel_loop3A_189 = arith.constant 1 : i32
    scf.for %parallel_loop3A_212 = %parallel_loop3A_187 to %parallel_loop3A_188 step %parallel_loop3A_189  : i32 {
      %parallel_loop3A_213 = arith.constant 16 : i32
      %parallel_loop3A_214 = arith.muli %parallel_loop3A_212, %parallel_loop3A_213 : i32
      %parallel_loop3A_215 = arith.index_cast %parallel_loop3A_214 : i32 to index
      %parallel_loop3A_216 = tpu.vector_load %arg16[%parallel_loop3A_215] {strides = array<i32>} : memref<3072xi32, #tpu.memory_space<vmem>>, vector<16xi32>,
      %parallel_loop3A_217 = tpu.vector_load_idx %arg10[%parallel_loop3A_216] : memref<24000xf32, #tpu.memory_space<vmem>>[vector<16xi32>], vector<16xf32>,
      %parallel_loop3A_218 = arith.constant 16 : i32
      %parallel_loop3A_219 = arith.muli %parallel_loop3A_212, %parallel_loop3A_218 : i32
      %parallel_loop3A_220 = arith.index_cast %parallel_loop3A_219 : i32 to index
      %parallel_loop3A_221 = tpu.vector_load %arg17[%parallel_loop3A_220] {strides = array<i32>} : memref<3072xf32, #tpu.memory_space<vmem>>, vector<16xf32>,
      tpu.vector_store %arg17[%parallel_loop3A_220], %parallel_loop3A_217 {strides = array<i32>} : memref<3072xf32, #tpu.memory_space<vmem>>, vector<16xf32>,
    } {sc.loop_unroll_factor = 8 : i64, sc.parallel_access}
    %run_scoped3A_190 = arith.constant 4 : i32
    "tpu.region"() ({
      %run_scoped3A_212 = tpu.sem_alloc : memref<!tpu.dma_semaphore, #tpu.memory_space<semaphore_mem>>
      %dma_start3A_213 = arith.constant 0 : i32
      %dma_start3A_214 = tpu.memref_slice %arg8[%add3A, %run_scoped3A_190, %dma_start3A_213] : memref<32x6x3072xf32, #tpu.memory_space<hbm>> -> memref<1x1x3072xf32, #tpu.memory_space<hbm>>
      %dma_start3A_215 = tpu.memref_squeeze %dma_start3A_214 : memref<1x1x3072xf32, #tpu.memory_space<hbm>> -> memref<3072xf32, #tpu.memory_space<hbm>>
      %dma_start3A_216 = arith.constant 0 : i32
      %dma_start3A_217 = tpu.memref_slice %arg8[%add3A, %run_scoped3A_190, %dma_start3A_216] : memref<32x6x3072xf32, #tpu.memory_space<hbm>> -> memref<1x1x3072xf32, #tpu.memory_space<hbm>>
      %dma_start3A_218 = tpu.memref_squeeze %dma_start3A_217 : memref<1x1x3072xf32, #tpu.memory_space<hbm>> -> memref<3072xf32, #tpu.memory_space<hbm>>
      tpu.enqueue_dma source(%arg17 : memref<3072xf32, #tpu.memory_space<vmem>>) target(%dma_start3A_218 : memref<3072xf32, #tpu.memory_space<hbm>>) target_semaphore(%run_scoped3A_212 : memref<!tpu.dma_semaphore, #tpu.memory_space<semaphore_mem>>)
      %dma_wait3A_219 = arith.constant 0 : i32
      %dma_wait3A_220 = tpu.memref_slice %arg8[%add3A, %run_scoped3A_190, %dma_wait3A_219] : memref<32x6x3072xf32, #tpu.memory_space<hbm>> -> memref<1x1x3072xf32, #tpu.memory_space<hbm>>
      %dma_wait3A_221 = tpu.memref_squeeze %dma_wait3A_220 : memref<1x1x3072xf32, #tpu.memory_space<hbm>> -> memref<3072xf32, #tpu.memory_space<hbm>>
      %dma_wait3A_222 = arith.constant 0 : i32
      %dma_wait3A_223 = tpu.memref_slice %arg8[%add3A, %run_scoped3A_190, %dma_wait3A_222] : memref<32x6x3072xf32, #tpu.memory_space<hbm>> -> memref<1x1x3072xf32, #tpu.memory_space<hbm>>
      %dma_wait3A_224 = tpu.memref_squeeze %dma_wait3A_223 : memref<1x1x3072xf32, #tpu.memory_space<hbm>> -> memref<3072xf32, #tpu.memory_space<hbm>>
      tpu.wait_dma2 semaphore(%run_scoped3A_212 : memref<!tpu.dma_semaphore, #tpu.memory_space<semaphore_mem>>) src(%arg17 : memref<3072xf32, #tpu.memory_space<vmem>>) dst(%dma_wait3A_224 : memref<3072xf32, #tpu.memory_space<hbm>>)
      tpu.yield
    }) : () -> ()
    %dma_wait3A_191 = arith.constant 5 : i32
    %dma_wait3A_192 = arith.constant 0 : i32
    %dma_wait3A_193 = tpu.memref_slice %arg3[%select_n3A, %dma_wait3A_191, %dma_wait3A_192] : memref<4x6x24000xf32, #tpu.memory_space<hbm>> -> memref<1x1x24000xf32, #tpu.memory_space<hbm>>
    %dma_wait3A_194 = tpu.memref_squeeze %dma_wait3A_193 : memref<1x1x24000xf32, #tpu.memory_space<hbm>> -> memref<24000xf32, #tpu.memory_space<hbm>>
    %dma_wait3A_195 = arith.constant 0 : i32
    %dma_wait3A_196 = tpu.memref_slice %arg3[%select_n3A, %dma_wait3A_191, %dma_wait3A_195] : memref<4x6x24000xf32, #tpu.memory_space<hbm>> -> memref<1x1x24000xf32, #tpu.memory_space<hbm>>
    %dma_wait3A_197 = tpu.memref_squeeze %dma_wait3A_196 : memref<1x1x24000xf32, #tpu.memory_space<hbm>> -> memref<24000xf32, #tpu.memory_space<hbm>>
    tpu.wait_dma2 semaphore(%arg24 : memref<!tpu.dma_semaphore, #tpu.memory_space<semaphore_mem>>) src(%dma_wait3A_197 : memref<24000xf32, #tpu.memory_space<hbm>>) dst(%arg11 : memref<24000xf32, #tpu.memory_space<vmem>>)
    %parallel_loop3A_198 = arith.constant 0 : i32
    %parallel_loop3A_199 = arith.constant 192 : i32
    %parallel_loop3A_200 = arith.constant 1 : i32
    scf.for %parallel_loop3A_212 = %parallel_loop3A_198 to %parallel_loop3A_199 step %parallel_loop3A_200  : i32 {
      %parallel_loop3A_213 = arith.constant 16 : i32
      %parallel_loop3A_214 = arith.muli %parallel_loop3A_212, %parallel_loop3A_213 : i32
      %parallel_loop3A_215 = arith.index_cast %parallel_loop3A_214 : i32 to index
      %parallel_loop3A_216 = tpu.vector_load %arg16[%parallel_loop3A_215] {strides = array<i32>} : memref<3072xi32, #tpu.memory_space<vmem>>, vector<16xi32>,
      %parallel_loop3A_217 = tpu.vector_load_idx %arg11[%parallel_loop3A_216] : memref<24000xf32, #tpu.memory_space<vmem>>[vector<16xi32>], vector<16xf32>,
      %parallel_loop3A_218 = arith.constant 16 : i32
      %parallel_loop3A_219 = arith.muli %parallel_loop3A_212, %parallel_loop3A_218 : i32
      %parallel_loop3A_220 = arith.index_cast %parallel_loop3A_219 : i32 to index
      %parallel_loop3A_221 = tpu.vector_load %arg17[%parallel_loop3A_220] {strides = array<i32>} : memref<3072xf32, #tpu.memory_space<vmem>>, vector<16xf32>,
      tpu.vector_store %arg17[%parallel_loop3A_220], %parallel_loop3A_217 {strides = array<i32>} : memref<3072xf32, #tpu.memory_space<vmem>>, vector<16xf32>,
    } {sc.loop_unroll_factor = 8 : i64, sc.parallel_access}
    %run_scoped3A_201 = arith.constant 5 : i32
    "tpu.region"() ({
      %run_scoped3A_212 = tpu.sem_alloc : memref<!tpu.dma_semaphore, #tpu.memory_space<semaphore_mem>>
      %dma_start3A_213 = arith.constant 0 : i32
      %dma_start3A_214 = tpu.memref_slice %arg8[%add3A, %run_scoped3A_201, %dma_start3A_213] : memref<32x6x3072xf32, #tpu.memory_space<hbm>> -> memref<1x1x3072xf32, #tpu.memory_space<hbm>>
      %dma_start3A_215 = tpu.memref_squeeze %dma_start3A_214 : memref<1x1x3072xf32, #tpu.memory_space<hbm>> -> memref<3072xf32, #tpu.memory_space<hbm>>
      %dma_start3A_216 = arith.constant 0 : i32
      %dma_start3A_217 = tpu.memref_slice %arg8[%add3A, %run_scoped3A_201, %dma_start3A_216] : memref<32x6x3072xf32, #tpu.memory_space<hbm>> -> memref<1x1x3072xf32, #tpu.memory_space<hbm>>
      %dma_start3A_218 = tpu.memref_squeeze %dma_start3A_217 : memref<1x1x3072xf32, #tpu.memory_space<hbm>> -> memref<3072xf32, #tpu.memory_space<hbm>>
      tpu.enqueue_dma source(%arg17 : memref<3072xf32, #tpu.memory_space<vmem>>) target(%dma_start3A_218 : memref<3072xf32, #tpu.memory_space<hbm>>) target_semaphore(%run_scoped3A_212 : memref<!tpu.dma_semaphore, #tpu.memory_space<semaphore_mem>>)
      %dma_wait3A_219 = arith.constant 0 : i32
      %dma_wait3A_220 = tpu.memref_slice %arg8[%add3A, %run_scoped3A_201, %dma_wait3A_219] : memref<32x6x3072xf32, #tpu.memory_space<hbm>> -> memref<1x1x3072xf32, #tpu.memory_space<hbm>>
      %dma_wait3A_221 = tpu.memref_squeeze %dma_wait3A_220 : memref<1x1x3072xf32, #tpu.memory_space<hbm>> -> memref<3072xf32, #tpu.memory_space<hbm>>
      %dma_wait3A_222 = arith.constant 0 : i32
      %dma_wait3A_223 = tpu.memref_slice %arg8[%add3A, %run_scoped3A_201, %dma_wait3A_222] : memref<32x6x3072xf32, #tpu.memory_space<hbm>> -> memref<1x1x3072xf32, #tpu.memory_space<hbm>>
      %dma_wait3A_224 = tpu.memref_squeeze %dma_wait3A_223 : memref<1x1x3072xf32, #tpu.memory_space<hbm>> -> memref<3072xf32, #tpu.memory_space<hbm>>
      tpu.wait_dma2 semaphore(%run_scoped3A_212 : memref<!tpu.dma_semaphore, #tpu.memory_space<semaphore_mem>>) src(%arg17 : memref<3072xf32, #tpu.memory_space<vmem>>) dst(%dma_wait3A_224 : memref<3072xf32, #tpu.memory_space<hbm>>)
      tpu.yield
    }) : () -> ()
    %dma_wait3A_202 = arith.constant 0 : i32
    %dma_wait3A_203 = arith.constant 0 : i32
    %dma_wait3A_204 = tpu.memref_slice %arg4[%select_n3A, %dma_wait3A_202, %dma_wait3A_203] : memref<4x1x24000xi32, #tpu.memory_space<hbm>> -> memref<1x1x24000xi32, #tpu.memory_space<hbm>>
    %dma_wait3A_205 = tpu.memref_squeeze %dma_wait3A_204 : memref<1x1x24000xi32, #tpu.memory_space<hbm>> -> memref<24000xi32, #tpu.memory_space<hbm>>
    %dma_wait3A_206 = arith.constant 0 : i32
    %dma_wait3A_207 = tpu.memref_slice %arg4[%select_n3A, %dma_wait3A_202, %dma_wait3A_206] : memref<4x1x24000xi32, #tpu.memory_space<hbm>> -> memref<1x1x24000xi32, #tpu.memory_space<hbm>>
    %dma_wait3A_208 = tpu.memref_squeeze %dma_wait3A_207 : memref<1x1x24000xi32, #tpu.memory_space<hbm>> -> memref<24000xi32, #tpu.memory_space<hbm>>
    tpu.wait_dma2 semaphore(%arg25 : memref<!tpu.dma_semaphore, #tpu.memory_space<semaphore_mem>>) src(%dma_wait3A_208 : memref<24000xi32, #tpu.memory_space<hbm>>) dst(%arg12 : memref<24000xi32, #tpu.memory_space<vmem>>)
    %parallel_loop3A_209 = arith.constant 0 : i32
    %parallel_loop3A_210 = arith.constant 192 : i32
    %parallel_loop3A_211 = arith.constant 1 : i32
    scf.for %parallel_loop3A_212 = %parallel_loop3A_209 to %parallel_loop3A_210 step %parallel_loop3A_211  : i32 {
      %parallel_loop3A_213 = arith.constant 16 : i32
      %parallel_loop3A_214 = arith.muli %parallel_loop3A_212, %parallel_loop3A_213 : i32
      %parallel_loop3A_215 = arith.index_cast %parallel_loop3A_214 : i32 to index
      %parallel_loop3A_216 = tpu.vector_load %arg16[%parallel_loop3A_215] {strides = array<i32>} : memref<3072xi32, #tpu.memory_space<vmem>>, vector<16xi32>,
      %parallel_loop3A_217 = tpu.vector_load_idx %arg12[%parallel_loop3A_216] : memref<24000xi32, #tpu.memory_space<vmem>>[vector<16xi32>], vector<16xi32>,
      %parallel_loop3A_218 = arith.constant 16 : i32
      %parallel_loop3A_219 = arith.muli %parallel_loop3A_212, %parallel_loop3A_218 : i32
      %parallel_loop3A_220 = arith.index_cast %parallel_loop3A_219 : i32 to index
      %parallel_loop3A_221 = tpu.vector_load %arg18[%parallel_loop3A_220] {strides = array<i32>} : memref<3072xi32, #tpu.memory_space<vmem>>, vector<16xi32>,
      tpu.vector_store %arg18[%parallel_loop3A_220], %parallel_loop3A_217 {strides = array<i32>} : memref<3072xi32, #tpu.memory_space<vmem>>, vector<16xi32>,
    } {sc.loop_unroll_factor = 8 : i64, sc.parallel_access}
    "tpu.region"() ({
      %run_scoped3A_212 = tpu.sem_alloc : memref<!tpu.dma_semaphore, #tpu.memory_space<semaphore_mem>>
      %dma_start3A_213 = arith.constant 0 : i32
      %dma_start3A_214 = tpu.memref_slice %arg9[%add3A, %dma_start3A_213] : memref<32x3072xi32, #tpu.memory_space<hbm>> -> memref<1x3072xi32, #tpu.memory_space<hbm>>
      %dma_start3A_215 = tpu.memref_squeeze %dma_start3A_214 : memref<1x3072xi32, #tpu.memory_space<hbm>> -> memref<3072xi32, #tpu.memory_space<hbm>>
      %dma_start3A_216 = arith.constant 0 : i32
      %dma_start3A_217 = tpu.memref_slice %arg9[%add3A, %dma_start3A_216] : memref<32x3072xi32, #tpu.memory_space<hbm>> -> memref<1x3072xi32, #tpu.memory_space<hbm>>
      %dma_start3A_218 = tpu.memref_squeeze %dma_start3A_217 : memref<1x3072xi32, #tpu.memory_space<hbm>> -> memref<3072xi32, #tpu.memory_space<hbm>>
      tpu.enqueue_dma source(%arg18 : memref<3072xi32, #tpu.memory_space<vmem>>) target(%dma_start3A_218 : memref<3072xi32, #tpu.memory_space<hbm>>) target_semaphore(%run_scoped3A_212 : memref<!tpu.dma_semaphore, #tpu.memory_space<semaphore_mem>>)
      %dma_wait3A_219 = arith.constant 0 : i32
      %dma_wait3A_220 = tpu.memref_slice %arg9[%add3A, %dma_wait3A_219] : memref<32x3072xi32, #tpu.memory_space<hbm>> -> memref<1x3072xi32, #tpu.memory_space<hbm>>
      %dma_wait3A_221 = tpu.memref_squeeze %dma_wait3A_220 : memref<1x3072xi32, #tpu.memory_space<hbm>> -> memref<3072xi32, #tpu.memory_space<hbm>>
      %dma_wait3A_222 = arith.constant 0 : i32
      %dma_wait3A_223 = tpu.memref_slice %arg9[%add3A, %dma_wait3A_222] : memref<32x3072xi32, #tpu.memory_space<hbm>> -> memref<1x3072xi32, #tpu.memory_space<hbm>>
      %dma_wait3A_224 = tpu.memref_squeeze %dma_wait3A_223 : memref<1x3072xi32, #tpu.memory_space<hbm>> -> memref<3072xi32, #tpu.memory_space<hbm>>
      tpu.wait_dma2 semaphore(%run_scoped3A_212 : memref<!tpu.dma_semaphore, #tpu.memory_space<semaphore_mem>>) src(%arg18 : memref<3072xi32, #tpu.memory_space<vmem>>) dst(%dma_wait3A_224 : memref<3072xi32, #tpu.memory_space<hbm>>)
      tpu.yield
    }) : () -> ()
    return
  }
}

module attributes {stable_mosaic.version = 14 : i64} {
  func.func @_thresh_body(%arg0: i32, %arg1: memref<16x24000xf32, #tpu.memory_space<vmem>>, %arg2: memref<16x16xi32, #tpu.memory_space<vmem>>, %arg3: memref<16x16xi32, #tpu.memory_space<vmem>>) attributes {dimension_semantics = [#tpu.dimension_semantics<parallel>], iteration_bounds = array<i64: 2>, scalar_prefetch = 0 : i64, scratch_operands = 0 : i64, tpu.core_type = #tpu.core_type<tc>, window_params = [{transform_indices = @transform_0, window_bounds = array<i64: 16, 24000>}, {transform_indices = @transform_1, window_bounds = array<i64: 16, 16>}, {transform_indices = @transform_2, window_bounds = array<i64: 16, 16>}]} {
    %get3A = arith.constant 0 : index
    %get3A_0 = arith.constant 0 : index
    %get3A_1 = vector.load %arg1[%get3A, %get3A_0] : memref<16x24000xf32, #tpu.memory_space<vmem>>, vector<16x24000xf32>
    %bitcast_convert_type3A = tpu.bitcast %get3A_1 : vector<16x24000xf32> -> vector<16x24000xi32>
    %lt3A = arith.constant 0 : i32
    %lt3A_2 = vector.broadcast %lt3A : i32 to vector<16x24000xi32>
    %lt3A_3 = arith.cmpi slt, %bitcast_convert_type3A, %lt3A_2 : vector<16x24000xi32>
    %xor3A = arith.constant 2147483647 : i32
    %xor3A_4 = vector.broadcast %xor3A : i32 to vector<16x24000xi32>
    %xor3A_5 = arith.xori %bitcast_convert_type3A, %xor3A_4 : vector<16x24000xi32>
    %select_n3A = arith.select %lt3A_3, %xor3A_5, %bitcast_convert_type3A : vector<16x24000xi1>, vector<16x24000xi32>
    %xor3A_6 = arith.constant -2147483648 : i32
    %xor3A_7 = vector.broadcast %xor3A_6 : i32 to vector<16x24000xi32>
    %xor3A_8 = arith.xori %select_n3A, %xor3A_7 : vector<16x24000xi32>
    %broadcast_in_dim3A = arith.constant 0 : i32
    %broadcast_in_dim3A_9 = vector.broadcast %broadcast_in_dim3A : i32 to vector<16x1xi32>
    %add3A = arith.constant 3071 : i32
    %add3A_10 = vector.broadcast %add3A : i32 to vector<16x1xi32>
    %add3A_11 = arith.addi %broadcast_in_dim3A_9, %add3A_10 : vector<16x1xi32>
    %scan3A = arith.constant 0 : i32
    %scan3A_12 = arith.constant 0 : i32
    %scan3A_13 = arith.constant 32 : i32
    %scan3A_14 = arith.addi %scan3A_12, %scan3A_13 : i32
    %scan3A_15 = arith.constant 1 : i32
    %scan3A_16:4 = scf.for %scan3A_32 = %scan3A_12 to %scan3A_14 step %scan3A_15 iter_args(%scan3A_33 = %broadcast_in_dim3A_9, %scan3A_34 = %add3A_11, %scan3A_35 = %broadcast_in_dim3A_9, %scan3A_36 = %scan3A) -> (vector<16x1xi32>, vector<16x1xi32>, vector<16x1xi32>, i32)  : i32 {
      %sub3A_37 = arith.constant 31 : i32
      %sub3A_38 = arith.subi %sub3A_37, %scan3A_32 : i32
      %shift_left3A = arith.constant 1 : i32
      %shift_left3A_39 = arith.shli %shift_left3A, %sub3A_38 : i32
      %and3A = vector.broadcast %scan3A_36 : i32 to vector<16x24000xi32>
      %and3A_40 = arith.andi %xor3A_8, %and3A : vector<16x24000xi32>
      %eq3A = vector.broadcast %scan3A_33 : vector<16x1xi32> to vector<16x24000xi32>
      %eq3A_41 = arith.cmpi eq, %and3A_40, %eq3A : vector<16x24000xi32>
      %and3A_42 = vector.broadcast %shift_left3A_39 : i32 to vector<16x24000xi32>
      %and3A_43 = arith.andi %xor3A_8, %and3A_42 : vector<16x24000xi32>
      %eq3A_44 = arith.constant 0 : i32
      %eq3A_45 = vector.broadcast %eq3A_44 : i32 to vector<16x24000xi32>
      %eq3A_46 = arith.cmpi eq, %and3A_43, %eq3A_45 : vector<16x24000xi32>
      %and3A_47 = arith.andi %eq3A_41, %eq3A_46 : vector<16x24000xi1>
      %convert_element_type3A = arith.extui %and3A_47 : vector<16x24000xi1> to vector<16x24000xi32>
      %reduce_sum3A = arith.constant dense<0> : vector<16xi32>
      %reduce_sum3A_48 = vector.multi_reduction <add>, %convert_element_type3A, %reduce_sum3A [1] : vector<16x24000xi32> to vector<16xi32>
      %broadcast_in_dim3A_49 = vector.shape_cast %reduce_sum3A_48 : vector<16xi32> to vector<16x1xi32>
      %lt3A_50 = arith.cmpi slt, %scan3A_34, %broadcast_in_dim3A_49 : vector<16x1xi32>
      %or3A = vector.broadcast %shift_left3A_39 : i32 to vector<16x1xi32>
      %or3A_51 = arith.ori %scan3A_33, %or3A : vector<16x1xi32>
      %select_n3A_52 = arith.select %lt3A_50, %scan3A_33, %or3A_51 : vector<16x1xi1>, vector<16x1xi32>
      %sub3A_53 = arith.subi %scan3A_34, %broadcast_in_dim3A_49 : vector<16x1xi32>
      %select_n3A_54 = arith.select %lt3A_50, %scan3A_34, %sub3A_53 : vector<16x1xi1>, vector<16x1xi32>
      %add3A_55 = arith.addi %scan3A_35, %broadcast_in_dim3A_49 : vector<16x1xi32>
      %select_n3A_56 = arith.select %lt3A_50, %scan3A_35, %add3A_55 : vector<16x1xi1>, vector<16x1xi32>
      %or3A_57 = arith.ori %scan3A_36, %shift_left3A_39 : i32
      scf.yield %select_n3A_52, %select_n3A_54, %select_n3A_56, %or3A_57 : vector<16x1xi32>, vector<16x1xi32>, vector<16x1xi32>, i32
    }
    %scan3A_17 = arith.constant 32 : i32
    %xor3A_18 = arith.constant -2147483648 : i32
    %xor3A_19 = vector.broadcast %xor3A_18 : i32 to vector<16x1xi32>
    %xor3A_20 = arith.xori %scan3A_16#0, %xor3A_19 : vector<16x1xi32>
    %broadcast_in_dim3A_21 = vector.shape_cast %xor3A_20 : vector<16x1xi32> to vector<16x1xi32>
    %broadcast_in_dim3A_22 = vector.broadcast %broadcast_in_dim3A_21 : vector<16x1xi32> to vector<16x16xi32>
    %swap3A = arith.constant 0 : index
    %swap3A_23 = arith.constant 0 : index
    %swap3A_24 = vector.load %arg2[%swap3A, %swap3A_23] : memref<16x16xi32, #tpu.memory_space<vmem>>, vector<16x16xi32>
    tpu.vector_store %arg2[%swap3A, %swap3A_23], %broadcast_in_dim3A_22 {strides = array<i32>} : memref<16x16xi32, #tpu.memory_space<vmem>>, vector<16x16xi32>,
    %sub3A = arith.constant 3072 : i32
    %sub3A_25 = vector.broadcast %sub3A : i32 to vector<16x1xi32>
    %sub3A_26 = arith.subi %sub3A_25, %scan3A_16#2 : vector<16x1xi32>
    %broadcast_in_dim3A_27 = vector.shape_cast %sub3A_26 : vector<16x1xi32> to vector<16x1xi32>
    %broadcast_in_dim3A_28 = vector.broadcast %broadcast_in_dim3A_27 : vector<16x1xi32> to vector<16x16xi32>
    %swap3A_29 = arith.constant 0 : index
    %swap3A_30 = arith.constant 0 : index
    %swap3A_31 = vector.load %arg3[%swap3A_29, %swap3A_30] : memref<16x16xi32, #tpu.memory_space<vmem>>, vector<16x16xi32>
    tpu.vector_store %arg3[%swap3A_29, %swap3A_30], %broadcast_in_dim3A_28 {strides = array<i32>} : memref<16x16xi32, #tpu.memory_space<vmem>>, vector<16x16xi32>,
    return
  }
  func.func @transform_0(%arg0: i32) -> (i32, i32) {
    %c0_i32 = arith.constant 0 : i32
    %c0_i32_0 = arith.constant 0 : i32
    return %arg0, %c0_i32 : i32, i32
  }
  func.func @transform_1(%arg0: i32) -> (i32, i32) {
    %c0_i32 = arith.constant 0 : i32
    %c0_i32_0 = arith.constant 0 : i32
    return %arg0, %c0_i32 : i32, i32
  }
  func.func @transform_2(%arg0: i32) -> (i32, i32) {
    %c0_i32 = arith.constant 0 : i32
    %c0_i32_0 = arith.constant 0 : i32
    return %arg0, %c0_i32 : i32, i32
  }
}

module attributes {stable_mosaic.version = 14 : i64} {
  func.func @_ddf_body(%arg0: i32, %arg1: memref<8x6x3072xf32, #tpu.memory_space<vmem>>, %arg2: memref<8x1x3xf32, #tpu.memory_space<vmem>>, %arg3: memref<8x10x3072xf32, #tpu.memory_space<vmem>>) attributes {dimension_semantics = [#tpu.dimension_semantics<parallel>], iteration_bounds = array<i64: 4>, scalar_prefetch = 0 : i64, scratch_operands = 0 : i64, tpu.core_type = #tpu.core_type<tc>, window_params = [{transform_indices = @transform_0, window_bounds = array<i64: 8, 6, 3072>}, {transform_indices = @transform_1, window_bounds = array<i64: 8, 1, 3>}, {transform_indices = @transform_2, window_bounds = array<i64: 8, 10, 3072>}]} {
    %get3A = arith.constant 0 : index
    %get3A_0 = arith.constant 0 : index
    %get3A_1 = arith.constant 0 : index
    %get3A_2 = vector.load %arg1[%get3A, %get3A_0, %get3A_1] : memref<8x6x3072xf32, #tpu.memory_space<vmem>>, vector<8x6x3072xf32>
    %get3A_3 = arith.constant 0 : index
    %get3A_4 = arith.constant 0 : index
    %get3A_5 = arith.constant 0 : index
    %get3A_6 = vector.load %arg2[%get3A_3, %get3A_4, %get3A_5] : memref<8x1x3xf32, #tpu.memory_space<vmem>>, vector<8x1x3xf32>
    %slice3A = vector.extract_strided_slice %get3A_2 {offsets = [0, 0, 0], sizes = [8, 1, 3072], strides = [1, 1, 1]} : vector<8x6x3072xf32> to vector<8x1x3072xf32>
    %slice3A_7 = vector.extract_strided_slice %get3A_2 {offsets = [0, 1, 0], sizes = [8, 1, 3072], strides = [1, 1, 1]} : vector<8x6x3072xf32> to vector<8x1x3072xf32>
    %slice3A_8 = vector.extract_strided_slice %get3A_2 {offsets = [0, 2, 0], sizes = [8, 1, 3072], strides = [1, 1, 1]} : vector<8x6x3072xf32> to vector<8x1x3072xf32>
    %slice3A_9 = vector.extract_strided_slice %get3A_6 {offsets = [0, 0, 0], sizes = [8, 1, 1], strides = [1, 1, 1]} : vector<8x1x3xf32> to vector<8x1x1xf32>
    %slice3A_10 = vector.extract_strided_slice %get3A_6 {offsets = [0, 0, 1], sizes = [8, 1, 1], strides = [1, 1, 1]} : vector<8x1x3xf32> to vector<8x1x1xf32>
    %slice3A_11 = vector.extract_strided_slice %get3A_6 {offsets = [0, 0, 2], sizes = [8, 1, 1], strides = [1, 1, 1]} : vector<8x1x3xf32> to vector<8x1x1xf32>
    %mul3A = vector.broadcast %slice3A_9 : vector<8x1x1xf32> to vector<8x1x3072xf32>
    %mul3A_12 = arith.mulf %mul3A, %slice3A : vector<8x1x3072xf32>
    %mul3A_13 = vector.broadcast %slice3A_10 : vector<8x1x1xf32> to vector<8x1x3072xf32>
    %mul3A_14 = arith.mulf %mul3A_13, %slice3A_7 : vector<8x1x3072xf32>
    %add3A = arith.addf %mul3A_12, %mul3A_14 : vector<8x1x3072xf32>
    %mul3A_15 = vector.broadcast %slice3A_11 : vector<8x1x1xf32> to vector<8x1x3072xf32>
    %mul3A_16 = arith.mulf %mul3A_15, %slice3A_8 : vector<8x1x3072xf32>
    %add3A_17 = arith.addf %add3A, %mul3A_16 : vector<8x1x3072xf32>
    %mul3A_18 = arith.mulf %slice3A, %slice3A : vector<8x1x3072xf32>
    %mul3A_19 = arith.mulf %slice3A_7, %slice3A_7 : vector<8x1x3072xf32>
    %add3A_20 = arith.addf %mul3A_18, %mul3A_19 : vector<8x1x3072xf32>
    %mul3A_21 = arith.mulf %slice3A_8, %slice3A_8 : vector<8x1x3072xf32>
    %add3A_22 = arith.addf %add3A_20, %mul3A_21 : vector<8x1x3072xf32>
    %mul3A_23 = arith.mulf %slice3A_9, %slice3A_9 : vector<8x1x1xf32>
    %mul3A_24 = arith.mulf %slice3A_10, %slice3A_10 : vector<8x1x1xf32>
    %add3A_25 = arith.addf %mul3A_23, %mul3A_24 : vector<8x1x1xf32>
    %mul3A_26 = arith.mulf %slice3A_11, %slice3A_11 : vector<8x1x1xf32>
    %add3A_27 = arith.addf %add3A_25, %mul3A_26 : vector<8x1x1xf32>
    %mul3A_28 = arith.constant -2.000000e+00 : f32
    %mul3A_29 = vector.broadcast %mul3A_28 : f32 to vector<8x1x3072xf32>
    %mul3A_30 = arith.mulf %mul3A_29, %add3A_17 : vector<8x1x3072xf32>
    %add3A_31 = arith.addf %mul3A_30, %add3A_22 : vector<8x1x3072xf32>
    %add3A_32 = vector.broadcast %add3A_27 : vector<8x1x1xf32> to vector<8x1x3072xf32>
    %add3A_33 = arith.addf %add3A_31, %add3A_32 : vector<8x1x3072xf32>
    %max3A = arith.constant 9.99999996E-13 : f32
    %max3A_34 = vector.broadcast %max3A : f32 to vector<8x1x3072xf32>
    %max3A_35 = arith.maximumf %add3A_33, %max3A_34 : vector<8x1x3072xf32>
    %sqrt3A = math.sqrt %max3A_35 : vector<8x1x3072xf32>
    %mul3A_36 = arith.constant -4.000000e+00 : f32
    %mul3A_37 = vector.broadcast %mul3A_36 : f32 to vector<8x1x3072xf32>
    %mul3A_38 = arith.mulf %mul3A_37, %sqrt3A : vector<8x1x3072xf32>
    %exp3A = math.exp %mul3A_38 : vector<8x1x3072xf32>
    %slice3A_39 = vector.extract_strided_slice %get3A_2 {offsets = [0, 0, 0], sizes = [8, 3, 3072], strides = [1, 1, 1]} : vector<8x6x3072xf32> to vector<8x3x3072xf32>
    %swap3A = arith.constant 0 : index
    %swap3A_40 = arith.constant 0 : index
    %swap3A_41 = arith.constant 0 : index
    %swap3A_42 = vector.load %arg3[%swap3A, %swap3A_40, %swap3A_41] : memref<8x10x3072xf32, #tpu.memory_space<vmem>>, vector<8x3x3072xf32>
    tpu.vector_store %arg3[%swap3A, %swap3A_40, %swap3A_41], %slice3A_39 {strides = array<i32>} : memref<8x10x3072xf32, #tpu.memory_space<vmem>>, vector<8x3x3072xf32>,
    %swap3A_43 = arith.constant 0 : index
    %swap3A_44 = arith.constant 3 : index
    %swap3A_45 = arith.constant 0 : index
    %swap3A_46 = vector.load %arg3[%swap3A_43, %swap3A_44, %swap3A_45] : memref<8x10x3072xf32, #tpu.memory_space<vmem>>, vector<8x6x3072xf32>
    tpu.vector_store %arg3[%swap3A_43, %swap3A_44, %swap3A_45], %get3A_2 {strides = array<i32>} : memref<8x10x3072xf32, #tpu.memory_space<vmem>>, vector<8x6x3072xf32>,
    %swap3A_47 = arith.constant 0 : index
    %swap3A_48 = arith.constant 9 : index
    %swap3A_49 = arith.constant 0 : index
    %swap3A_50 = vector.load %arg3[%swap3A_47, %swap3A_48, %swap3A_49] : memref<8x10x3072xf32, #tpu.memory_space<vmem>>, vector<8x1x3072xf32>
    tpu.vector_store %arg3[%swap3A_47, %swap3A_48, %swap3A_49], %exp3A {strides = array<i32>} : memref<8x10x3072xf32, #tpu.memory_space<vmem>>, vector<8x1x3072xf32>,
    return
  }
  func.func @transform_0(%arg0: i32) -> (i32, i32, i32) {
    %c0_i32 = arith.constant 0 : i32
    %c0_i32_0 = arith.constant 0 : i32
    %c0_i32_1 = arith.constant 0 : i32
    return %arg0, %c0_i32, %c0_i32_0 : i32, i32, i32
  }
  func.func @transform_1(%arg0: i32) -> (i32, i32, i32) {
    %c0_i32 = arith.constant 0 : i32
    %c0_i32_0 = arith.constant 0 : i32
    %c0_i32_1 = arith.constant 0 : i32
    return %arg0, %c0_i32, %c0_i32_0 : i32, i32, i32
  }
  func.func @transform_2(%arg0: i32) -> (i32, i32, i32) {
    %c0_i32 = arith.constant 0 : i32
    %c0_i32_0 = arith.constant 0 : i32
    %c0_i32_1 = arith.constant 0 : i32
    return %arg0, %c0_i32, %c0_i32_0 : i32, i32, i32
  }
}

</mosaic_0001>

<sc_bundles>
// kernel: kernel.5.cloned.1.call-start
scs
__scs_entry_jumppad:
0x0: {  	(pc) =	sbr.rel $0x88, $3  }
0x1: {  	(tag) =	ssettag $0x0;
	lr =	simm.s32 $0x1  }
0x2: {  	[smem:$0x3F9E] =	sst lr;
	_ =	strace $0xD0000000  }
0x3: {  	_ = 	snop  }
0x4: {  	_ = 	snop  }
0x5: {  	_ = 	snop  }
0x6: {  	_ = 	snop  }
0x7: {  	_ = 	snop  }
__scs_overlays_trampoline_lowered:
0x8: {  	[smem:$0x3FAD] =	sst s0  }
0x9: {  	[smem:$0x3FAE] =	sst s1  }
0xa: {  	[smem:$0x3FAF] =	sst s2  }
0xb: {  	[smem:$0x3FB0] =	sst s3  }
0xc: {  	[smem:$0x3FB1] =	sst s4  }
0xd: {  	[smem:$0x3FB2] =	sst s5  }
0xe: {  	[smem:$0x3FB3] =	sst s6  }
0xf: {  	[smem:$0x3FB4] =	sst s7  }
0x10: {  	[smem:$0x3FB5] =	sst s8  }
0x11: {  	[smem:$0x3FB6] =	sst s9;
	s0 =	simm.s32 @!p0 $0x0  }
0x12: {  	s1 =	sld [smem:$0x3F9C];
	s0 =	simm.s32 @p0 $0x1  }
0x13: {  	[smem:$0x3FB7] =	sst s0;
	s0 =	simm.s32 @!p1 $0x0  }
0x14: {  	s2 =	sld [smem:$0x3F9B];
	s0 =	simm.s32 @p1 $0x1  }
0x15: {  	[smem:$0x3FB8] =	sst s0;
	s0 =	simm.s32 @!p2 $0x0  }
0x16: {  	s3 =	sld [smem:$0x3FDB];
	s0 =	simm.s32 @p2 $0x1  }
0x17: {  	s4 =	simm.s32 $0x1BF5;
	[smem:$0x3FBA] =	sst s0  }
0x18: {  	s0 =	sld [smem:$0x3F9D];
	_ =	swait.ge [sflag:s4], $0x0  }
0x19: {  	s7 =	sld [smem:$0x3F9E]  }
0x1a: {  	s8 =	sadd.s32 $0xFFFFE003, lr  }
0x1b: {  	s9 =	sadd.s32 $0xFFFFFEF7, lr;
	s5 =	simm.s32 $0xFFFFFFFF;
	p2 =	slt.u32 s8, $0xFFFFF086  }
0x1c: {  	p1 =	slt.u32 s9, $0xF7A;
	s5 =	simm.s32 @!p2 $0x0  }
0x1d: {  	s5 =	simm.s32 @p1 $0x1;
	p0 =	seq.s32 s7, s2  }
0x1e: {  	s7 =	smul.u32 @!p0 $0xF7A, s2;
	p2 =	seq.s32 @!p0 s5, $0x0  }
0x1f: {  	s9 =	smul.u32 $0xF7A, s1;
	s8 =	simm.s32 @!p0 $0x1BF5;
	p2 =	por !p2, p0  }
0x20: {  	[sflag:s8] =	ssyncset.s32 @!p0 $0xFFFFF086;
	s6 =	sadd.s32 @!p0 s3, s7;
	s7 =	simm.s32 @!p0 $0x108  }
0x21: {  	s3 =	sadd.s32 s3, s9;
	s6 =	sadd.s32 @!p0 $0x88, s6;
	s7 =	simm.s32 @p2 $0x1082  }
0x22: {  	[simem:s7], [sflag:s8] =	dma.local @!p0 [hbm:s6], $0xF7A  }
0x23: {  	s9 =	sor.u32 $0xD0000000, s2;
	s6 =	simm.s32 $0x108;
	_ =	swait.ge @!p0 [sflag:s8], $0x0  }
0x24: {  	s3 =	sadd.s32 $0x88, s3;
	s6 =	simm.s32 @!p1 $0x1082;
	[sflag:s4] =	ssyncset.s32 $0xFFFFF086  }
0x25: {  	[simem:s6], [sflag:s4] =	dma.local [hbm:s3], $0xF7A  }
0x26: {  	[smem:$0x3F9E] =	sst s1;
	(tag) =	ssettag s2;
	_ =	strace s9  }
0x27: {  	s1 =	sld [smem:$0x3FAE]  }
0x28: {  	s2 =	sld [smem:$0x3FAF]  }
0x29: {  	s4 =	sld [smem:$0x3FB1]  }
0x2a: {  	p0 =	seq.s32 s5, $0x0;
	s5 =	sld [smem:$0x3FB2]  }
0x2b: {  	s6 =	sld [smem:$0x3FB3]  }
0x2c: {  	s7 =	sld [smem:$0x3FB4]  }
0x2d: {  	s3 =	simm.s32 $0x108;
	s8 =	sld [smem:$0x3FB5]  }
0x2e: {  	s3 =	simm.s32 @!p0 $0x1082;
	s9 =	sld [smem:$0x3FB6]  }
0x2f: {  	lr =	sadd.s32 s0, s3;
	s0 =	sld [smem:$0x3FAD]  }
0x30: {  	s3 =	sld [smem:$0x3FB0]  }
0x31: {  	[smem:$0x3FB9] =	sst s10  }
0x32: {  	s10 =	sld [smem:$0x3FB7];
	_ =	sdelay $0x3  }
0x33: {  	p0 =	seq.s32 s10, $0x1;
	s10 =	sld [smem:$0x3FB9];
	_ =	sdelay $0x3  }
0x34: {  	[smem:$0x3FB9] =	sst s10  }
0x35: {  	s10 =	sld [smem:$0x3FB8];
	_ =	sdelay $0x3  }
0x36: {  	p1 =	seq.s32 s10, $0x1;
	s10 =	sld [smem:$0x3FB9];
	_ =	sdelay $0x3  }
0x37: {  	[smem:$0x3FB9] =	sst s10  }
0x38: {  	s10 =	sld [smem:$0x3FBA]  }
0x39: {  	_ = 	snop;
	(pc) =	sbr.ind lr, $3  }
0x3a: {  	_ = 	snop  }
0x3b: {  	_ = 	snop  }
0x3c: {  	p2 =	seq.s32 s10, $0x1;
	s10 =	sld [smem:$0x3FB9]  }
0x3d: {  	_ =	shalt  }
0x3e: {  	_ =	shalt  }
0x3f: {  	_ =	shalt  }
0x40: {  	_ =	shalt  }
0x41: {  	_ =	shalt  }
0x42: {  	_ =	shalt  }
0x43: {  	_ =	shalt  }
0x44: {  	_ =	shalt  }
0x45: {  	_ =	shalt  }
0x46: {  	_ =	shalt  }
0x47: {  	_ =	shalt  }
0x48: {  	_ =	shalt  }
0x49: {  	_ =	shalt  }
0x4a: {  	_ =	shalt  }
0x4b: {  	_ =	shalt  }
0x4c: {  	_ =	shalt  }
0x4d: {  	_ =	shalt  }
0x4e: {  	_ =	shalt  }
0x4f: {  	_ =	shalt  }
0x50: {  	_ =	shalt  }
0x51: {  	_ =	shalt  }
0x52: {  	_ =	shalt  }
0x53: {  	_ =	shalt  }
0x54: {  	_ =	shalt  }
0x55: {  	_ =	shalt  }
0x56: {  	_ =	shalt  }
0x57: {  	_ =	shalt  }
0x58: {  	_ =	shalt  }
0x59: {  	_ =	shalt  }
0x5a: {  	_ =	shalt  }
0x5b: {  	_ =	shalt  }
0x5c: {  	_ =	shalt  }
0x5d: {  	_ =	shalt  }
0x5e: {  	_ =	shalt  }
0x5f: {  	_ =	shalt  }
0x60: {  	_ =	shalt  }
0x61: {  	_ =	shalt  }
0x62: {  	_ =	shalt  }
0x63: {  	_ =	shalt  }
0x64: {  	_ =	shalt  }
0x65: {  	_ =	shalt  }
0x66: {  	_ =	shalt  }
0x67: {  	_ =	shalt  }
0x68: {  	_ =	shalt  }
0x69: {  	_ =	shalt  }
0x6a: {  	_ =	shalt  }
0x6b: {  	_ =	shalt  }
0x6c: {  	_ =	shalt  }
0x6d: {  	_ =	shalt  }
0x6e: {  	_ =	shalt  }
0x6f: {  	_ =	shalt  }
0x70: {  	_ =	shalt  }
0x71: {  	_ =	shalt  }
0x72: {  	_ =	shalt  }
0x73: {  	_ =	shalt  }
0x74: {  	_ =	shalt  }
0x75: {  	_ =	shalt  }
0x76: {  	_ =	shalt  }
0x77: {  	_ =	shalt  }
0x78: {  	_ =	shalt  }
0x79: {  	_ =	shalt  }
0x7a: {  	_ =	shalt  }
0x7b: {  	_ =	shalt  }
0x7c: {  	_ =	shalt  }
0x7d: {  	_ =	shalt  }
0x7e: {  	_ =	shalt  }
0x7f: {  	_ =	shalt  }
0x80: {  	_ =	shalt  }
0x81: {  	_ =	shalt  }
0x82: {  	_ =	shalt  }
0x83: {  	_ =	shalt  }
0x84: {  	_ =	shalt  }
0x85: {  	_ =	shalt  }
0x86: {  	_ =	shalt  }
0x87: {  	_ =	shalt  }
.Lfunc_end0:
.L_simem_size_0:
called_computation_lowered:
.L_overlay_start_0:
0x88: {  	s2 =	sld [smem:$0x3FD9]  }
0x89: {  	s3 =	sld [smem:$0x3FFE];
	_ =	sdelay $0x1  }
0x8a: {  	s1 =	srdreg.scid  }
0x8b: {  	s0 =	sand.u32 $0x1, s1  }
0x8c: {  	s14 =	sshll.u32 s0, $0xA;
	s2 =	sadd.s32 s3, s2  }
0x8d: {  	s2 =	sadd.s32 s2, s14  }
0x8e: {  	[smem:$0x3FC5] =	sst s2  }
0x8f: {  	_ = 	snop  }
0x90: {  	s2 =	sld [smem:$0x3FD0];
	_ =	sdelay $0x2  }
0x91: {  	s4 =	simm.s32 $0xA;
	s5 =	simm.s32 $0x10;
	s15 =	sld [smem:$0x3FC8]  }
0x92: {  	[smem:s5], [sflag:s4] =	dma.local [hbm:s2], $0x1  }
0x93: {  	_ =	swait.eq [sflag:s4], $0x1  }
0x94: {  	s16 =	sld [smem:$0x10];
	[sflag:s4] =	ssyncset.done $0x0  }
0x95: {  	s17 =	sld [smem:$0x11];
	[sflag:s4] =	ssyncadd.s32 $0xFFFFFFFF  }
0x96: {  	s18 =	sld [smem:$0x12];
	(tm) =	ssettm $0x1  }
0x97: {  	s6 =	sld [smem:$0x3FFB];
	_ =	sdelay $0x3  }
0x98: {  	_ =	strace s6  }
0x99: {  	s6 =	sld [smem:$0x3FFC];
	_ =	sdelay $0x3  }
0x9a: {  	_ =	strace s6  }
0x9b: {  	s6 =	sld [smem:$0x3FFD];
	_ =	sdelay $0x3  }
0x9c: {  	_ =	strace s6  }
0x9d: {  	_ =	strace $0x8FFFFFFF  }
0x9e: {  	s19 =	sld [smem:$0x3FDB];
	_ =	sdelay $0x1  }
0x9f: {  	s7 =	simm.s32 $_scs_section_size  }
0xa0: {  	s8 =	simm.s32 $_size__tile_overlayer_lowered;
	s9 =	simm.s32 $_tile_overlayer_lowered  }
0xa1: {  	s22 =	simm.s32 $0x1BFF;
	s21 =	sshll.u32 s9, $0x1;
	s6 =	sadd.s32 s7, s19  }
0xa2: {  	s10 =	simm.s32 $0x0;
	s20 =	sshll.u32 s8, $0x1;
	s8 =	sadd.s32 s21, s6  }
0xa3: {  	[timem:s10], [sflag:s22] =	dma.local [hbm:s8], s20  }
0xa4: {  	_ =	swait.ge [sflag:s22], s20  }
0xa5: {  	s7 =	ssub.s32 $0x0, s20;
	[sflag:s22] =	ssyncset.done $0x0  }
0xa6: {  	[sflag:s22] =	ssyncadd.s32 s7;
	_ =	sdelay $0x1  }
0xa7: {  	s23 =	simm.s32 $0x1B8B  }
0xa8: {  	_ =	swait.ge [sflag:s23], $0x1  }
0xa9: {  	[sflag:s23] =	ssyncset.done $0x0  }
0xaa: {  	s25 =	simm.s32 $0x1B8E;
	s24 =	sld [smem:$0x3FFE];
	[sflag:s23] =	ssyncadd.s32 $0xFFFFFFFF  }
0xab: {  	s26 =	simm.s32 $execute0_lowered;
	[smem:$0x3FD2] =	sst s25  }
0xac: {  	s8 =	sshll.u32 s26, $0x1;
	_ =	strace $0x80000046;
	[dreg:$0x1] =	wrdreg $0xFFFFFFFF  }
0xad: {  	s28 =	simm.s32 $_size_execute0_lowered;
	s6 =	sadd.s32 s6, s8;
	[dreg:$0x0] =	wrdreg $0x0  }
0xae: {  	s8 =	sshll.u32 s28, $0x1;
	[dreg:$0x2] =	wrdreg s6  }
0xaf: {  	[dreg:$0x3] =	wrdreg s8  }
0xb0: {  	[dreg:$0x4] =	wrdreg $0xC0  }
0xb1: {  	_ =	task [dreg:s10], $0x5FFFF  }
0xb2: {  	[dreg:$0x1] =	wrdreg $0xFFFFFFFF  }
0xb3: {  	[dreg:$0x0] =	wrdreg $0x60  }
0xb4: {  	[dreg:$0x2] =	wrdreg s24  }
0xb5: {  	[dreg:$0x3] =	wrdreg s15  }
0xb6: {  	[dreg:$0x4] =	wrdreg s17  }
0xb7: {  	[dreg:$0x5] =	wrdreg s18  }
0xb8: {  	[dreg:$0x6] =	wrdreg s16  }
0xb9: {  	[dreg:$0x7] =	wrdreg $0x9  }
0xba: {  	_ =	task.clear_ibuf [dreg:s10], $0x8FFFF;
	_ =	strace $0x90000046  }
0xbb: {  	s29 =	simm.s32 $0x9;
	_ =	strace $0x80000048  }
0xbc: {  	_ =	swait.ge [sflag:s29], $0x1  }
0xbd: {  	[sflag:s29] =	ssyncadd.s32 $0xFFFFFFFF  }
0xbe: {  	_ =	strace $0x90000048  }
0xbf: {  	_ =	sfence  }
0xc0: {  	s30 =	sld [smem:$0x0];
	_ =	sdelay $0x2  }
0xc1: {  	s31 =	sshll.u32 s1, $0xD;
	s1 =	sshrl.u32 s1, $0x2  }
0xc2: {  	s3 =	sand.u32 $0x4000, s31;
	s1 =	sadd.s32 s1, s30  }
0xc3: {  	s0 =	sor.u32 s3, s0;
	s1 =	sshll.u32 s1, $0x11  }
0xc4: {  	s0 =	sor.u32 s1, s0  }
0xc5: {  	s0 =	sadd.s32 $0x8F2B, s0  }
0xc6: {  	[sflag:s0] =	ssyncadd.remote.s32 $0x1  }
0xc7: {  	_ =	sfence.sel $0xFFFF  }
0xc8: {  	[dreg:$0x0] =	wrdreg $0xFFFFFFFF;
	(pc) =	sbr.abs _section_cstart, $3  }
0xc9: {  	[dreg:$0x1] =	wrdreg $0xFFFFFFFF  }
0xca: {  	_ =	task.clear_ibuf [dreg:s10], $0x2FFFF;
	_ =	strace $0x9FFFFFFF  }
0xcb: {  	(tm) =	ssettm $0x7FFFFFFF  }
tec
execute0_lowered:
.L_overlay_start_1:
0x0: {  	(tag) =	ssettag $0x1  }
0x1: {  	s0 =	rddreg [dreg:$0x0]  }
0x2: {  	s1 =	rddreg [dreg:$0x1]  }
0x3: {  	s3 =	rddreg [dreg:$0x2]  }
0x4: {  	s2 =	srdreg.scid;
	s5 =	rddreg [dreg:$0x3]  }
0x5: {  	s7 =	stileid.u32;
	s8 =	rddreg [dreg:$0x4]  }
0x6: {  	s28 =	simm.s32 $0x11A00;
	s29 =	simm.s32 $0x12600;
	s30 =	simm.s32 $0xBC00  }
0x7: {  	s4 =	sand.u32 $0x1, s2;
	s23 =	sshll.u32 s7, $0x1;
	s7 =	sshrl.u32 s7, $0x2  }
0x8: {  	s2 =	simm.s32 $0x0;
	s6 =	sor.u32 s4, s23;
	s10 =	smul.u32 $0x2F000, s7  }
0x9: {  	[smem:$0x7FF] =	sst s2;
	s12 =	sshll.u32 s7, $0xA;
	s13 =	smul.u32 $0x6000, s7  }
0xa: {  	s4 =	ssub.s32 $0x2, s4;
	s7 =	smul.u32 $0xBC0, s7;
	s9 =	sshll.u32 s6, $0x7  }
0xb: {  	_ =	strace $0x80000047;
	s26 =	sshrl.u32 s4, $0x1;
	s9 =	sand.u32 $0x380, s9  }
0xc: {  	s4 =	ssub.s32 s4, s26;
	s1 =	sadd.s32 s1, s7;
	s11 =	sor.u32 s10, s9  }
0xd: {  	s10 =	sshrl.u32 s10, $0x3;
	s24 =	sor.u32 s12, s9;
	[dreg:$0xa] =	wrdreg s1  }
0xe: {  	s26 =	smax.u32 s4, $0x1;
	s14 =	sadd.s32 s10, s0;
	s10 =	sshrl.u32 s24, $0x3  }
0xf: {  	s9 =	sor.u32 s13, s9;
	[dreg:$0x17] =	wrdreg s26;
	s3 =	sadd.s32 s3, s10  }
0x10: {  	v0 =	vimm.s32 $0x0;
	s9 =	sshrl.u32 s9, $0x3;
	s13 =	sadd.s32 $0xA00, s14;
	[dreg:$0x7] =	wrdreg s3  }
0x11: {  	s31 =	simm.s32 $0x16200;
	(xrf1) =	vunique.msk.u32 $0xffff, v0;
	s15 =	sadd.s32 s5, s9;
	[dreg:$0x9] =	wrdreg s13  }
0x12: {  	s7 =	simm.s32 $0x0;
	s16 =	sadd.s32 $0xA10, s14;
	[dreg:$0xb] =	wrdreg s15  }
0x13: {  	s1 =	simm.s32 $0x16A00;
	s17 =	sadd.s32 $0xA20, s14;
	[dreg:$0xc] =	wrdreg s16  }
0x14: {  	s11 =	sshrl.u32 s11, $0x3;
	s19 =	sadd.s32 $0xA30, s14;
	[dreg:$0xd] =	wrdreg s17  }
0x15: {  	s11 =	sadd.s32 s11, s0;
	s21 =	sadd.s32 $0xA40, s14;
	[dreg:$0xf] =	wrdreg s19  }
0x16: {  	s25 =	sadd.s32 s10, s0;
	s11 =	sadd.s32 $0x18200, s11;
	[dreg:$0x11] =	wrdreg s21  }
0x17: {  	s23 =	sadd.s32 $0xA50, s14;
	[dreg:$0x6] =	wrdreg s11;
	s11 =	smul.u32 $0xC00, s6  }
0x18: {  	s0 =	sadd.s32 s9, s0;
	s12 =	sadd.s32 $0x2FA00, s25;
	[dreg:$0x13] =	wrdreg s23  }
0x19: {  	s0 =	sadd.s32 $0x2FC00, s0;
	[dreg:$0x8] =	wrdreg s12;
	s10 =	sadd.s32 s8, s11  }
0x1a: {  	s4 =	simm.s32 $0x14A00;
	[dreg:$0x16] =	wrdreg s0;
	s18 =	sadd.s32 $0x10, s10  }
0x1b: {  	s26 =	simm.s32 $0x1;
	s20 =	sadd.s32 $0x20, s10;
	[dreg:$0xe] =	wrdreg s18  }
0x1c: {  	s5 =	simm.s32 $0x2;
	s22 =	sadd.s32 $0x30, s10;
	[dreg:$0x10] =	wrdreg s20  }
0x1d: {  	v1 =	vlaneseq.u32;
	s23 =	simm.s32 $0x400;
	s24 =	sadd.s32 $0x40, s10;
	[dreg:$0x12] =	wrdreg s22  }
0x1e: {  	v2 =	vmul.u32 $0xFFFFFFFF, v1;
	s3 =	simm.s32 $0x5E00;
	s25 =	sadd.s32 $0x50, s10;
	[dreg:$0x14] =	wrdreg s24  }
0x1f: {  	v4 =	vadd.s32 $0x1, v1;
	s0 =	simm.s32 $0x13200;
	s6 =	simm.s32 $0x3;
	[dreg:$0x15] =	wrdreg s25;
	_, v3, _ =	vpop (xrf1)  }
0x20: {  	s22 =	simm.s32 $0x80;
	s24 =	simm.s32 $0x4;
	s25 =	simm.s32 $0x13E00;
	v2 =	vadd.s32 v2, v3;
	v3 =	vsub.s32 v4, v3  }
.LBB2_1:
0x21: {  	s8 =	rddreg [dreg:$0x6]  }
0x22: {  	[tilespmem:s2], [sflag:$0x4] =	stream.strided.gather [hbm4b:s8+s22], $0x5E00, s23, s22, $0x38;
	[tilespmem:$0x17300] =	vst v63  }
0x23: {  	_ =	swait.ge [sflag:s24], $0x5E00  }
0x24: {  	[sflag:s24] =	ssyncset.done $0x0  }
0x25: {  	s9 =	simm.s32 $0x17200;
	s13 =	rddreg [dreg:$0x7];
	[sflag:s24] =	ssyncadd.s32 $0xFFFFA200  }
0x26: {  	[tilespmem:s9], [sflag:$0x4] =	stream.linear.gather [hbm4b:s13+s2], $0x80, $0x38;
	[tilespmem:$0x17300] =	vst v63  }
0x27: {  	_ =	swait.ge [sflag:s24], $0x80  }
0x28: {  	[sflag:s24] =	ssyncset.done $0x0  }
0x29: {  	s15 =	simm.s32 $0x17280;
	s14 =	rddreg [dreg:$0x8];
	[sflag:s24] =	ssyncadd.s32 $0xFFFFFF80  }
0x2a: {  	[tilespmem:s15], [sflag:$0x4] =	stream.linear.gather [hbm4b:s14+s2], $0x80, $0x38;
	[tilespmem:$0x17300] =	vst v63  }
0x2b: {  	_ =	swait.ge [sflag:s24], $0x80  }
0x2c: {  	[sflag:s24] =	ssyncset.done $0x0  }
0x2d: {  	s16 =	simm.s32 $0x40;
	[sflag:s24] =	ssyncadd.s32 $0xFFFFFF80  }
0x2e: {  	v5 =	vld [tilespmem:s16+$0xFFFFFFC0]  }
0x2f: {  	v7 =	vld [tilespmem:s16+$0x0]  }
0x30: {  	v8 =	vld [tilespmem:s16+$0xFFFFFFD0]  }
0x31: {  	v6 =	vld [tilespmem:s16+$0xFFFFFFF0]  }
0x32: {  	v4 =	vld [tilespmem:$0x17200];
	_ =	sdelay $0x1  }
0x33: {  	vm0 =	vlt.s32 v5, $0x0;
	v9 =	vxor.u32 $0x7FFFFFFF, v5  }
0x34: {  	vm1 =	vlt.s32 v7, $0x0;
	vm2 =	vlt.s32 v8, $0x0;
	v10 =	vxor.u32 $0x7FFFFFFF, v7  }
0x35: {  	v15 =	vsel vm0, v9, v5;
	v5 =	vxor.u32 $0x7FFFFFFF, v6;
	vm0 =	vlt.s32 v6, $0x0  }
0x36: {  	v17 =	vsel vm1, v10, v7;
	vm3 =	veq.s32 v15, v4;
	v13 =	vsel vm0, v5, v6;
	v5 =	vld [tilespmem:s16+$0xFFFFFFE0]  }
0x37: {  	v6 =	vxor.u32 $0x7FFFFFFF, v8;
	v9 =	vsel vm3, $0x1, v0;
	vm4 =	veq.s32 v13, v4  }
0x38: {  	vm5 =	veq.s32 v17, v4;
	v8 =	vsel vm2, v6, v8;
	(xrf0) =	vadd.scan.msk.s32 $0xffff, v9;
	v7 =	vsel vm4, $0x1, v0  }
0x39: {  	v6 =	vsel vm5, $0x1, v0;
	vm0 =	veq.s32 v8, v4;
	(xrf0) =	vadd.scan.msk.s32 $0xffff, v7  }
0x3a: {  	v7 =	vsel vm0, $0x1, v0;
	(xrf0) =	vadd.scan.msk.s32 $0xffff, v6  }
0x3b: {  	vm1 =	vlt.s32 v5, $0x0;
	v6 =	vxor.u32 $0x7FFFFFFF, v5;
	(xrf0) =	vadd.scan.msk.s32 $0xffff, v7  }
0x3c: {  	v18 =	vsel vm1, v6, v5  }
0x3d: {  	vm2 =	veq.s32 v18, v4  }
0x3e: {  	v6, _, _ =	vpop (xrf0);
	v5 =	vsel vm2, $0x1, v0  }
0x3f: {  	v7 =	vld [tilespmem:s16+$0x20];
	(v2sf) =	vpush v6, $0xF;
	v9, _, _ =	vpop (xrf0);
	(xrf0) =	vadd.scan.msk.s32 $0xffff, v5  }
0x40: {  	v12 =	vsel vm3, $0xFFFFFFFF, v0;
	v5 =	vld [tilespmem:$0x17280];
	v10, _, _ =	vpop (xrf0)  }
0x41: {  	v12 =	vadd.s32 s2, v12;
	(v2sf) =	vpush v9, $0xF;
	v11, _, _ =	vpop (xrf0)  }
0x42: {  	v6 =	vadd.s32 v6, v12;
	(v2sf) =	vpush v11, $0xF;
	_ =	sdelay $0x1  }
0x43: {  	vm1 =	vlt.s32 v7, $0x0;
	v14 =	vxor.u32 $0x7FFFFFFF, v7  }
0x44: {  	v16 =	vld [tilespmem:s16+$0x10];
	vm6 =	vlt.s32 v15, v4;
	v14 =	vsel vm1, v14, v7;
	vm7 =	vlt.s32 v6, v5;
	v6, _, _ =	vpop (xrf0)  }
0x45: {  	v19 =	vld [tilespmem:s16+$0x30];
	vm1 =	veq.s32 v14, v4;
	vm3 =	vmand vm3, vm7;
	(v2sf) =	vpush v6, $0xF  }
0x46: {  	v7 =	vsel vm1, $0x1, v0;
	vm6 =	vmor vm6, vm3  }
0x47: {  	(xrf0) =	vadd.scan.msk.s32 $0xffff, v7;
	v12 =	vsel vm6, $0x1, v0  }
0x48: {  	(v2sf) =	vpush v10, $0xF;
	(xrf0) =	vadd.scan.msk.s32 $0xffff, v12  }
0x49: {  	v7 =	vxor.u32 $0x7FFFFFFF, v16;
	vm3 =	vlt.s32 v16, $0x0  }
0x4a: {  	vm9 =	vlt.s32 v19, $0x0;
	v21 =	vxor.u32 $0x7FFFFFFF, v19;
	v16 =	vsel vm3, v7, v16  }
0x4b: {  	v19 =	vsel vm9, v21, v19;
	vm7 =	veq.s32 v16, v4  }
0x4c: {  	v15 =	vxor.u32 $0x80000000, v15;
	vm8 =	vlt.s32 v13, v4;
	v7 =	vsel vm7, $0x1, v0  }
0x4d: {  	v59 =	vxor.u32 $0x80000000, v13;
	vm10 =	vlt.s32 v8, v4;
	(xrf0) =	vadd.scan.msk.s32 $0xffff, v7;
	v7 =	vsel vm0, $0xFFFFFFFF, v0;
	v20, _, _ =	vpop (xrf0);
	s17 =	spop (v2sf)  }
0x4e: {  	v22 =	vsel vm4, $0xFFFFFFFF, v0;
	v7 =	vadd.s32 v7, v11;
	(v2sf) =	vpush v20, $0xF;
	v11, _, _ =	vpop (xrf0);
	s8 =	sadd.s32 $0x0, s17  }
0x4f: {  	vm11 =	vmmov vm6;
	(v2sf) =	vpush v11, $0xF;
	s18 =	spop (v2sf);
	v7 =	vadd.s32 s8, v7  }
0x50: {  	v30 =	vsub.s32 v11, v12;
	vm3 =	vlt.s32 v7, v5;
	v7 =	vsel vm2, $0xFFFFFFFF, v0;
	s11 =	spop (v2sf)  }
0x51: {  	v30 =	vadd.s32 s2, v30;
	vm0 =	vmand vm0, vm3;
	v6 =	vadd.s32 v7, v6;
	s8 =	sadd.s32 s8, s11  }
0x52: {  	vm3 =	vmor vm10, vm0;
	vm0 =	veq.s32 v19, v4;
	v6 =	vadd.s32 s8, v6  }
0x53: {  	vm10 =	vlt.s32 v18, v4;
	v7, _, _ =	vpop (xrf0);
	v21 =	vsel vm3, $0x1, v0;
	vm9 =	vlt.s32 v6, v5  }
0x54: {  	v6 =	vsel vm0, $0x1, v0;
	(v2sf) =	vpush v7, $0xF;
	(xrf0) =	vadd.scan.msk.s32 $0xffff, v21;
	vm2 =	vmand vm2, vm9;
	s19 =	spop (v2sf)  }
0x55: {  	(xrf0) =	vadd.scan.msk.s32 $0xffff, v6;
	vm2 =	vmor vm10, vm2;
	s8 =	sadd.s32 s8, s19;
	v6 =	vadd.s32 v22, v9;
	v9 =	vsel vm5, $0xFFFFFFFF, v0  }
0x56: {  	v6 =	vadd.s32 s8, v6;
	s9 =	sadd.s32 s8, s18;
	v9 =	vadd.s32 v9, v10;
	v10 =	vsel vm7, $0xFFFFFFFF, v0;
	s8 =	simm.s32 $0xC0  }
0x57: {  	s20 =	spop (v2sf);
	v23 =	vsel vm2, $0x1, v0;
	vm9 =	vlt.s32 v6, v5;
	v6 =	vadd.s32 s9, v9;
	v9 =	vld [tilespmem:s8+$0xFFFFFFC0]  }
0x58: {  	v7 =	vadd.s32 v10, v7;
	s9 =	sadd.s32 s9, s20;
	vm4 =	vmand vm4, vm9;
	vm9 =	vlt.s32 v6, v5  }
0x59: {  	(xrf0) =	vadd.scan.msk.s32 $0xffff, v23;
	v6 =	vadd.s32 s9, v7;
	vm4 =	vmor vm8, vm4;
	vm5 =	vmand vm5, vm9  }
0x5a: {  	vm8 =	vlt.s32 v17, v4;
	vm9 =	vlt.s32 v6, v5;
	v10, _, _ =	vpop (xrf0);
	v24 =	vsel vm4, $0x1, v0  }
0x5b: {  	vm8 =	vmor vm8, vm5;
	vm5 =	vlt.s32 v16, v4;
	vm7 =	vmand vm7, vm9;
	v26, _, _ =	vpop (xrf0)  }
0x5c: {  	v25 =	vld [tilespmem:s8+$0xFFFFFFD0];
	(v2sf) =	vpush v26, $0xF;
	vm9 =	vlt.s32 v9, $0x0;
	v6 =	vxor.u32 $0x7FFFFFFF, v9  }
0x5d: {  	v7 =	vld [tilespmem:s8+$0xFFFFFFF0];
	(xrf0) =	vadd.scan.msk.s32 $0xffff, v24;
	v27 =	vsel vm8, $0x1, v0;
	vm5 =	vmor vm5, vm7;
	v6 =	vsel vm9, v6, v9  }
0x5e: {  	v18 =	vxor.u32 $0x80000000, v18;
	(xrf0) =	vadd.scan.msk.s32 $0xffff, v27;
	v28 =	vsel vm5, $0x1, v0;
	v9 =	vld [tilespmem:s8+$0x0];
	vm9 =	veq.s32 v6, v4  }
0x5f: {  	v48 =	vsel vm0, $0xFFFFFFFF, v0;
	v22 =	vsel vm1, $0xFFFFFFFF, v0;
	(xrf0) =	vadd.scan.msk.s32 $0xffff, v28;
	v12, _, _ =	vpop (xrf0);
	v29 =	vsel vm9, $0x1, v0  }
0x60: {  	v11 =	vadd.s32 v22, v20;
	v17 =	vxor.u32 $0x80000000, v17;
	(v2sf) =	vpush v12, $0xF;
	(xrf0) =	vadd.scan.msk.s32 $0xffff, v29  }
0x61: {  	v44 =	vsub.s32 v10, v21;
	vm10 =	vlt.s32 v25, $0x0;
	v20 =	vxor.u32 $0x7FFFFFFF, v25  }
0x62: {  	vm6 =	vlt.s32 v7, $0x0;
	(v2sf) =	vpush v10, $0xF;
	v10 =	vxor.u32 $0x7FFFFFFF, v7  }
0x63: {  	v35 =	vld [tilespmem:s8+$0x20];
	v7 =	vsel vm6, v10, v7;
	v21, _, _ =	vpop (xrf0);
	vm7 =	vlt.s32 v9, $0x0;
	v10 =	vxor.u32 $0x7FFFFFFF, v9  }
0x64: {  	v33 =	vld [tilespmem:s8+$0x10];
	v36 =	vsub.s32 v12, v23;
	vm6 =	veq.s32 v7, v4;
	v31, _, _ =	vpop (xrf0);
	v9 =	vsel vm7, v10, v9  }
0x65: {  	s21 =	spop (v2sf);
	v22 =	vsel vm6, $0x1, v0;
	v32, _, _ =	vpop (xrf0);
	v10 =	vsel vm10, v20, v25;
	vm7 =	veq.s32 v9, v4  }
0x66: {  	s12 =	spop (v2sf);
	(v2sf) =	vpush v21, $0xF;
	vm15 =	veq.s32 v10, v4;
	v25 =	vsel vm7, $0x1, v0;
	v34, _, _ =	vpop (xrf0);
	(xrf0) =	vadd.scan.msk.s32 $0xffff, v22  }
0x67: {  	v12 =	vld [tilespmem:s8+$0xFFFFFFE0];
	s14 =	spop (v2sf);
	(v2sf) =	vpush v32, $0xF;
	v22 =	vxor.u32 $0x80000000, v8;
	v8 =	vsel vm15, $0x1, v0;
	(xrf0) =	vadd.scan.msk.s32 $0xffff, v25  }
0x68: {  	v16 =	vxor.u32 $0x80000000, v16;
	vm13 =	vlt.s32 v35, $0x0;
	s9 =	sadd.s32 s9, s14;
	(v2sf) =	vpush v34, $0xF;
	(xrf0) =	vadd.scan.msk.s32 $0xffff, v8  }
0x69: {  	v38 =	vxor.u32 $0x7FFFFFFF, v33;
	v26 =	vadd.s32 v48, v26;
	v11 =	vadd.s32 s9, v11  }
0x6a: {  	v37 =	vsub.s32 v21, v24;
	vm10 =	vlt.s32 v14, v4;
	vm12 =	vlt.s32 v11, v5  }
0x6b: {  	s11 =	sadd.s32 s9, s21;
	v11 =	vxor.u32 $0x7FFFFFFF, v35;
	vm1 =	vmand vm1, vm12;
	v8 =	vsel vm9, $0xFFFFFFFF, v0;
	s16 =	spop (v2sf)  }
0x6c: {  	vm10 =	vmor vm10, vm1;
	vm1 =	vlt.s32 v12, $0x0;
	(v2sf) =	vpush v31, $0xF;
	s17 =	sadd.s32 s11, s16;
	v24, _, _ =	vpop (xrf0)  }
0x6d: {  	v21 =	vadd.s32 s17, v8;
	v8 =	vsel vm13, v11, v35;
	v11 =	vxor.u32 $0x7FFFFFFF, v12;
	v23, _, _ =	vpop (xrf0)  }
0x6e: {  	s12 =	sadd.s32 $0x0, s12;
	v45 =	vsel vm10, $0x1, v0;
	(v2sf) =	vpush v24, $0xF;
	v11 =	vsel vm1, v11, v12;
	v46, _, _ =	vpop (xrf0)  }
0x6f: {  	s13 =	simm.s32 $0x10;
	v29 =	vadd.s32 s12, v44;
	s18 =	spop (v2sf);
	(xrf0) =	vadd.scan.msk.s32 $0xffff, v45;
	vm14 =	veq.s32 v11, v4;
	(v2sf) =	vpush v46, $0xF  }
0x70: {  	v62 =	vsel vm6, $0xFFFFFFFF, v0;
	v20 =	vor.u32 s13, v1;
	v12 =	vsel vm14, $0x1, v0  }
0x71: {  	v27 =	vsub.s32 v31, v27;
	v14 =	vxor.u32 $0x80000000, v14;
	v28 =	vsub.s32 v32, v28;
	(xrf0) =	vadd.scan.msk.s32 $0xffff, v12  }
0x72: {  	v49 =	vsel vm15, $0xFFFFFFFF, v0;
	v63 =	vsel vm7, $0xFFFFFFFF, v0;
	v21 =	vadd.s32 v34, v21  }
0x73: {  	v26 =	vadd.s32 s11, v26;
	vm12 =	vlt.s32 v33, $0x0;
	vm1 =	vlt.s32 v21, v5  }
0x74: {  	vm13 =	vlt.s32 v6, v4;
	s19 =	spop (v2sf);
	vm9 =	vmand vm9, vm1;
	vm1 =	veq.s32 v8, v4  }
0x75: {  	vm9 =	vmor vm13, vm9;
	v39 =	vsel vm1, $0x1, v0;
	s16 =	spop (v2sf);
	v12 =	vsel vm12, v38, v33;
	v50, _, _ =	vpop (xrf0)  }
0x76: {  	s15 =	simm.s32 $0x30;
	s14 =	sadd.s32 s12, s19;
	v21 =	vsel vm9, $0x1, v0;
	vm12 =	veq.s32 v12, v4;
	(xrf0) =	vadd.scan.msk.s32 $0xffff, v39;
	s9 =	spop (v2sf);
	(v2sf) =	vpush v50, $0xF  }
0x77: {  	v25 =	vor.u32 s15, v1;
	s15 =	simm.s32 $0x20;
	s20 =	sadd.s32 s14, s18;
	vm13 =	vlt.s32 v26, v5;
	v52 =	vsel vm12, $0x1, v0;
	(xrf0) =	vadd.scan.msk.s32 $0xffff, v21;
	s21 =	spop (v2sf);
	v26, _, _ =	vpop (xrf0)  }
0x78: {  	v54 =	vor.u32 s15, v1;
	s15 =	simm.s32 $0x50;
	v53 =	vadd.s32 s14, v36;
	s11 =	sadd.s32 s17, s21;
	s21 =	sadd.s32 s20, s16;
	(xrf0) =	vadd.scan.msk.s32 $0xffff, v52;
	(v2sf) =	vpush v26, $0xF  }
0x79: {  	v60 =	vor.u32 s15, v1;
	v24 =	vadd.s32 v62, v24;
	v27 =	vadd.s32 s21, v27  }
0x7a: {  	v58 =	vsel vm14, $0xFFFFFFFF, v0;
	v47 =	vadd.s32 s20, v37;
	(v2sf) =	vpush v23, $0xF  }
0x7b: {  	[tilespmem:v30+s28+$0x0] =	vst.idx.msk vm11, v15;
	s14 =	simm.s32 $0x60;
	v33 =	vadd.s32 v49, v46;
	vm0 =	vmand vm0, vm13;
	vm13 =	vlt.s32 v19, v4  }
0x7c: {  	[tilespmem:v29+s28+$0x0] =	vst.idx.msk vm3, v22;
	v22 =	vor.u32 s14, v1;
	v19 =	vxor.u32 $0x80000000, v19;
	vm13 =	vmor vm13, vm0;
	s18 =	spop (v2sf);
	v39, _, _ =	vpop (xrf0)  }
0x7d: {  	v51 =	vld [tilespmem:s8+$0x30];
	v57 =	vsel vm13, $0x1, v0;
	[tilespmem:v53+s28+$0x0] =	vst.idx.msk vm2, v18;
	v18 =	vsub.s32 v50, v45;
	s16 =	simm.s32 $0x40;
	v15, _, _ =	vpop (xrf0);
	(v2sf) =	vpush v39, $0xF;
	s19 =	spop (v2sf)  }
0x7e: {  	v33 =	vadd.s32 s11, v33;
	v55 =	vor.u32 s16, v1;
	(v2sf) =	vpush v15, $0xF;
	[tilespmem:v27+s28+$0x0] =	vst.idx.msk vm8, v17;
	v17, _, _ =	vpop (xrf0);
	s20 =	spop (v2sf)  }
0x7f: {  	v26 =	vadd.s32 v58, v26;
	vm0 =	vlt.s32 v33, v5;
	(xrf0) =	vadd.scan.msk.s32 $0xffff, v57;
	(v2sf) =	vpush v17, $0xF;
	s8 =	sadd.s32 s11, s20  }
0x80: {  	[tilespmem:v29+s29+$0x0] =	vst.idx.msk vm3, v20;
	vm0 =	vmand vm15, vm0;
	vm15 =	vlt.s32 v10, v4;
	s11 =	sadd.s32 s21, s18;
	v26 =	vadd.s32 s8, v26  }
0x81: {  	vm0 =	vmor vm15, vm0;
	[tilespmem:v27+s29+$0x0] =	vst.idx.msk vm8, v55;
	s9 =	sadd.s32 s11, s9;
	vm8 =	vlt.s32 v26, v5;
	v26 =	vadd.s32 s11, v28  }
0x82: {  	[tilespmem:v53+s29+$0x0] =	vst.idx.msk vm2, v54;
	s17 =	simm.s32 $0x0;
	vm15 =	vlt.s32 v51, $0x0;
	v27 =	vxor.u32 $0x7FFFFFFF, v51;
	v18 =	vadd.s32 s9, v18  }
0x83: {  	[tilespmem:v47+s28+$0x0] =	vst.idx.msk vm4, v59;
	v56 =	vor.u32 s17, v1;
	v23 =	vadd.s32 v63, v23;
	v13 =	vsel vm15, v27, v51;
	s21 =	simm.s32 $0x70  }
0x84: {  	[tilespmem:v47+s29+$0x0] =	vst.idx.msk vm4, v25;
	v25 =	vsel vm0, $0x1, v0;
	v27 =	vor.u32 s21, v1;
	vm4 =	veq.s32 v13, v4  }
0x85: {  	(xrf0) =	vadd.scan.msk.s32 $0xffff, v25;
	vm2 =	vmand vm14, vm8;
	vm14 =	vmmov vm0;
	vm8 =	vlt.s32 v11, v4;
	s16 =	spop (v2sf);
	v61, _, _ =	vpop (xrf0)  }
0x86: {  	vm15 =	vmor vm8, vm2;
	vm2 =	vmmov vm1;
	s16 =	sadd.s32 s9, s16;
	v20 =	vsub.s32 v61, v57;
	[tilespmem:v26+s28+$0x0] =	vst.idx.msk vm5, v16  }
0x87: {  	vm8 =	vlt.s32 v7, v4;
	v20 =	vadd.s32 s16, v20;
	v16 =	vsel vm4, $0x1, v0;
	[tilespmem:v18+s28+$0x0] =	vst.idx.msk vm10, v14;
	s17 =	spop (v2sf)  }
0x88: {  	(v2sf) =	vpush v61, $0xF;
	[tilespmem:v26+s29+$0x0] =	vst.idx.msk vm5, v60;
	v26 =	vsel vm12, $0xFFFFFFFF, v0;
	(xrf0) =	vadd.scan.msk.s32 $0xffff, v16;
	s8 =	sadd.s32 s8, s17  }
0x89: {  	[tilespmem:v18+s29+$0x0] =	vst.idx.msk vm10, v22;
	vm10 =	vlt.s32 v12, v4;
	v22 =	vsel vm15, $0x1, v0;
	s18 =	spop (v2sf);
	v24 =	vadd.s32 s8, v24;
	s8 =	sadd.s32 s8, s19  }
0x8a: {  	v17 =	vadd.s32 v26, v17;
	vm3 =	vlt.s32 v24, v5;
	v16 =	vadd.s32 s8, v23;
	s19 =	sadd.s32 s8, s18  }
0x8b: {  	[tilespmem:v30+s29+$0x0] =	vst.idx.msk vm11, v56;
	vm3 =	vmand vm6, vm3;
	vm6 =	vlt.s32 v16, v5;
	v14 =	vadd.s32 s19, v17  }
0x8c: {  	s20 =	spop (v2sf);
	[tilespmem:v20+s28+$0x0] =	vst.idx.msk vm13, v19;
	v16 =	vsel vm1, $0xFFFFFFFF, v0;
	vm5 =	vmor vm8, vm3;
	vm3 =	vmand vm7, vm6  }
0x8d: {  	(xrf0) =	vadd.scan.msk.s32 $0xffff, v22;
	s17 =	spop (v2sf);
	vm6 =	vlt.s32 v14, v5;
	vm7 =	vlt.s32 v9, v4;
	v14 =	vsub.s32 v15, v21  }
0x8e: {  	s13 =	simm.s32 $0x170;
	s12 =	simm.s32 $0x8;
	[tilespmem:v20+s29+$0x0] =	vst.idx.msk vm13, v27;
	v24, _, _ =	vpop (xrf0);
	vm8 =	vmand vm12, vm6;
	vm6 =	vmor vm7, vm3;
	v23 =	vsel vm5, $0x1, v0;
	s21 =	spop (v2sf)  }
0x8f: {  	s14 =	simm.s32 $0x140;
	s11 =	simm.s32 $0xB0;
	v21 =	vadd.s32 v16, v39;
	v15, _, _ =	vpop (xrf0);
	v16 =	vsub.s32 v24, v25;
	(xrf0) =	vadd.scan.msk.s32 $0xffff, v23;
	v20 =	vsel vm6, $0x1, v0;
	s18 =	sadd.s32 s19, s21  }
0x90: {  	s9 =	simm.s32 $0x90;
	s8 =	simm.s32 $0xF0;
	vm7 =	vmmov vm9;
	vm3 =	vmor vm10, vm8;
	(v2sf) =	vpush v15, $0xF;
	s15 =	sadd.s32 s18, s20;
	(xrf0) =	vadd.scan.msk.s32 $0xffff, v20  }
.LBB2_2:
0x91: {  	_ = 	snop  }
0x92: {  	v17 =	vimm.s32 $0x0;
	v25 =	vld [tilespmem:s14+$0xFFFFFFC0]  }
0x93: {  	v17 =	vsel vm14, $0xFFFFFFFF, v17  }
0x94: {  	v18 =	vxor.u32 $0x80000000, v10;
	v27 =	vld [tilespmem:s14+$0xFFFFFFF0];
	vm8 =	vlt.s32 v8, v4;
	[tilespmem:$0x1FFE0] =	vst v17;
	v17 =	vimm.s32 $0x0;
	v10, _, _ =	vpop (xrf0)  }
0x95: {  	v29 =	vld [tilespmem:s14+$0x0];
	v30 =	vsel vm3, $0x1, v0;
	v17 =	vsel vm3, $0xFFFFFFFF, v17;
	(v2sf) =	vpush v10, $0xF  }
0x96: {  	v28 =	vsub.s32 v10, v22;
	v10 =	vadd.s32 s18, v21;
	(v2sf) =	vpush v24, $0xF  }
0x97: {  	v21, _, _ =	vpop (xrf0);
	vm9 =	vlt.s32 v10, v5;
	vm10 =	vlt.s32 v25, $0x0;
	v10 =	vxor.u32 $0x7FFFFFFF, v25  }
0x98: {  	v22 =	vld [tilespmem:s14+$0x20];
	v31 =	vsub.s32 v21, v23;
	(v2sf) =	vpush v21, $0xF;
	v21 =	vsel vm10, v10, v25  }
0x99: {  	vm3 =	vmmov vm15;
	[tilespmem:$0x1FFF0] =	vst v17;
	v17 =	vor.u32 s9, v1;
	v24 =	vld [tilespmem:s14+$0xFFFFFFD0];
	vm13 =	veq.s32 v21, v4  }
0x9a: {  	v32, _, _ =	vpop (xrf0);
	(xrf0) =	vadd.scan.msk.s32 $0xffff, v30;
	vm11 =	vlt.s32 v27, $0x0;
	vm14 =	vlt.s32 v29, $0x0;
	v23 =	vsel vm13, $0x1, v0  }
0x9b: {  	vm1 =	vmand vm2, vm9;
	v10 =	vxor.u32 $0x7FFFFFFF, v27;
	v25 =	vxor.u32 $0x7FFFFFFF, v29;
	(xrf0) =	vadd.scan.msk.s32 $0xffff, v23  }
0x9c: {  	vm9 =	vmor vm8, vm1;
	v27 =	vsel vm11, v10, v27;
	v29 =	vsel vm14, v25, v29  }
0x9d: {  	vm8 =	veq.s32 v27, v4;
	vm11 =	veq.s32 v29, v4;
	vm1 =	vlt.s32 v22, $0x0  }
0x9e: {  	s19 =	sadd.s32 $0xFFFFFFA0, s13;
	v10 =	vxor.u32 $0x7FFFFFFF, v22;
	vm15 =	vlt.s32 v24, $0x0;
	v23 =	vxor.u32 $0x7FFFFFFF, v24  }
0x9f: {  	s20 =	sadd.s32 $0xFFFFFFC0, s13;
	s9 =	smov.u32 s19;
	v37 =	vsel vm8, $0x1, v0;
	v22 =	vsel vm1, v10, v22;
	v10 =	vsel vm15, v23, v24;
	s19 =	spop (v2sf)  }
0xa0: {  	v19 =	vor.u32 s11, v1;
	s11 =	smov.u32 s20;
	v25 =	vsel vm11, $0x1, v0;
	v35, _, _ =	vpop (xrf0);
	(xrf0) =	vadd.scan.msk.s32 $0xffff, v37;
	vm14 =	veq.s32 v10, v4;
	s20 =	spop (v2sf)  }
0xa1: {  	v34 =	vsel vm13, $0xFFFFFFFF, v0;
	v24 =	vsel vm14, $0x1, v0;
	s18 =	sadd.s32 s16, s19;
	s16 =	sadd.s32 s15, s20;
	v43, _, _ =	vpop (xrf0);
	(xrf0) =	vadd.scan.msk.s32 $0xffff, v25  }
0xa2: {  	v23 =	vadd.s32 s16, v34;
	(xrf0) =	vadd.scan.msk.s32 $0xffff, v24  }
0xa3: {  	v23 =	vadd.s32 v43, v23;
	_ =	sdelay $0x1  }
0xa4: {  	v26 =	vld [tilespmem:s14+$0x10];
	(v2sf) =	vpush v35, $0xF  }
0xa5: {  	v36 =	vld [tilespmem:s14+$0xFFFFFFE0];
	(v2sf) =	vpush v43, $0xF;
	vm15 =	vlt.s32 v23, v5;
	s19 =	spop (v2sf);
	v23, _, _ =	vpop (xrf0)  }
0xa6: {  	s21 =	spop (v2sf);
	(v2sf) =	vpush v32, $0xF;
	v32 =	vsub.s32 v32, v20;
	v20, _, _ =	vpop (xrf0)  }
0xa7: {  	s20 =	sadd.s32 s18, s17;
	s17 =	spop (v2sf);
	(v2sf) =	vpush v23, $0xF;
	v47, _, _ =	vpop (xrf0)  }
0xa8: {  	(v2sf) =	vpush v47, $0xF  }
0xa9: {  	vm12 =	vlt.s32 v26, $0x0  }
0xaa: {  	v33 =	vxor.u32 $0x7FFFFFFF, v26;
	vm0 =	vlt.s32 v36, $0x0;
	v38 =	vxor.u32 $0x7FFFFFFF, v36;
	s21 =	sadd.s32 s20, s21  }
0xab: {  	v36 =	vsel vm0, v38, v36;
	vm10 =	vlt.s32 v21, v4;
	v44 =	vsel vm9, $0x1, v0;
	s19 =	sadd.s32 s21, s19  }
0xac: {  	v24 =	vsel vm12, v33, v26;
	vm13 =	vmand vm13, vm15;
	v26 =	vadd.s32 s19, v31  }
0xad: {  	(xrf0) =	vadd.scan.msk.s32 $0xffff, v44;
	vm10 =	vmor vm10, vm13;
	vm13 =	veq.s32 v36, v4  }
0xae: {  	v51 =	vxor.u32 $0x80000000, v7;
	v9 =	vxor.u32 $0x80000000, v9;
	v39 =	vsel vm13, $0x1, v0  }
0xaf: {  	v40 =	vsel vm4, $0xFFFFFFFF, v0;
	v6 =	vxor.u32 $0x80000000, v6;
	v61 =	vxor.u32 $0x80000000, v8;
	(xrf0) =	vadd.scan.msk.s32 $0xffff, v39;
	s17 =	sadd.s32 s19, s17  }
0xb0: {  	v62 =	vxor.u32 $0x80000000, v12;
	v63 =	vxor.u32 $0x80000000, v13;
	v46 =	vadd.s32 s17, v32  }
0xb1: {  	vm0 =	vlt.s32 v13, v4;
	vm2 =	veq.s32 v22, v4;
	v28 =	vadd.s32 s21, v28;
	[tilespmem:v26+s28+$0x0] =	vst.idx.msk vm5, v51  }
0xb2: {  	v7 =	vmovc v27;
	v27 =	vxor.u32 $0x80000000, v11;
	v42 =	vsel vm2, $0x1, v0;
	v16 =	vadd.s32 s20, v16;
	s19 =	sadd.s32 $0xFFFFFFB0, s8;
	[tilespmem:v26+s29+$0x0] =	vst.idx.msk vm5, v19;
	v26 =	vld [tilespmem:$0x1FFE0]  }
0xb3: {  	vm12 =	veq.s32 v24, v4;
	v45 =	vsel vm10, $0x1, v0;
	s20 =	sadd.s32 $0xFFFFFFD0, s8;
	(xrf0) =	vadd.scan.msk.s32 $0xffff, v42;
	v50, _, _ =	vpop (xrf0);
	v49 =	vor.u32 s19, v1;
	s19 =	spop (v2sf)  }
0xb4: {  	v48 =	vsel vm12, $0x1, v0;
	s21 =	sadd.s32 $0xFFFFFF90, s8;
	v52 =	vor.u32 s20, v1;
	(xrf0) =	vadd.scan.msk.s32 $0xffff, v45;
	(v2sf) =	vpush v50, $0xF;
	s20 =	spop (v2sf)  }
0xb5: {  	v54 =	vor.u32 s21, v1;
	(xrf0) =	vadd.scan.msk.s32 $0xffff, v48;
	v53, _, _ =	vpop (xrf0);
	[tilespmem:v46+s28+$0x0] =	vst.idx.msk vm6, v9;
	v9 =	vadd.s32 v40, v15;
	s21 =	spop (v2sf)  }
0xb6: {  	v25 =	vld [tilespmem:s14+$0x30];
	[tilespmem:v28+s28+$0x0] =	vst.idx.msk vm3, v27;
	(v2sf) =	vpush v53, $0xF;
	v15 =	vsel vm14, $0xFFFFFFFF, v0;
	v40 =	vadd.s32 s15, v9;
	s15 =	sadd.s32 s16, s20;
	s16 =	sadd.s32 s17, s21;
	s17 =	spop (v2sf)  }
0xb7: {  	[tilespmem:v28+s29+$0x0] =	vst.idx.msk vm3, v49;
	v9 =	vadd.s32 v15, v47;
	vm3 =	vnez.u8 v26;
	v26 =	vsel vm13, $0xFFFFFFFF, v0;
	s21 =	spop (v2sf)  }
0xb8: {  	v30 =	vsub.s32 v35, v30;
	v57 =	vadd.s32 s15, v9;
	v26 =	vadd.s32 v26, v53;
	s15 =	sadd.s32 s15, s21  }
0xb9: {  	v8 =	vmovc v22;
	v56 =	vsel vm2, $0xFFFFFFFF, v0;
	vm1 =	vlt.s32 v40, v5;
	v22 =	vadd.s32 s15, v26;
	v26 =	vld [tilespmem:$0x1FFF0]  }
0xba: {  	v14 =	vadd.s32 s18, v14;
	v55, _, _ =	vpop (xrf0);
	(v2sf) =	vpush v20, $0xF;
	vm1 =	vmand vm4, vm1  }
0xbb: {  	vm15 =	vlt.s32 v25, $0x0;
	v27, _, _ =	vpop (xrf0);
	[tilespmem:v46+s29+$0x0] =	vst.idx.msk vm6, v52;
	(v2sf) =	vpush v55, $0xF;
	vm6 =	vmor vm0, vm1  }
0xbc: {  	v58 =	vxor.u32 $0x7FFFFFFF, v25;
	v15, _, _ =	vpop (xrf0);
	v19 =	vsel vm6, $0x1, v0;
	(v2sf) =	vpush v27, $0xF  }
0xbd: {  	vm0 =	vlt.s32 v57, v5;
	(xrf0) =	vadd.scan.msk.s32 $0xffff, v19;
	(v2sf) =	vpush v15, $0xF;
	[tilespmem:v16+s28+$0x0] =	vst.idx.msk vm3, v18  }
0xbe: {  	vm1 =	vlt.s32 v10, v4;
	vm0 =	vmand vm14, vm0;
	[tilespmem:v16+s29+$0x0] =	vst.idx.msk vm3, v17;
	vm3 =	vnez.u8 v26  }
0xbf: {  	[tilespmem:v14+s28+$0x0] =	vst.idx.msk vm7, v6;
	v6 =	vmovc v21;
	v25 =	vsel vm15, v58, v25;
	vm14 =	vmor vm1, vm0;
	v16 =	vadd.s32 s16, v30  }
0xc0: {  	v34 =	vsub.s32 v50, v44;
	[tilespmem:v14+s29+$0x0] =	vst.idx.msk vm7, v54;
	vm7 =	vlt.s32 v7, v4;
	v18 =	vsel vm14, $0x1, v0  }
0xc1: {  	v21 =	vadd.s32 v56, v55;
	v14 =	vsub.s32 v27, v45;
	s20 =	sadd.s32 $0xFFFFFFE0, s8;
	vm4 =	veq.s32 v25, v4;
	s18 =	sadd.s32 s16, s19;
	(xrf0) =	vadd.scan.msk.s32 $0xffff, v18  }
0xc2: {  	v11 =	vmovc v36;
	v60 =	vor.u32 s20, v1;
	v27 =	vor.u32 s8, v1;
	s19 =	sadd.s32 $0xFFFFFFF0, s8;
	v17 =	vadd.s32 s18, v34  }
0xc3: {  	vm0 =	vlt.s32 v11, v4;
	v59 =	vor.u32 s19, v1;
	s20 =	spop (v2sf);
	v13, _, _ =	vpop (xrf0);
	vm1 =	vlt.s32 v22, v5  }
0xc4: {  	s16 =	sadd.s32 s18, s20;
	v22 =	vsel vm4, $0x1, v0;
	v19 =	vsub.s32 v13, v19;
	(v2sf) =	vpush v13, $0xF;
	[tilespmem:v16+s28+$0x0] =	vst.idx.msk vm3, v62  }
0xc5: {  	vm1 =	vmand vm13, vm1;
	s21 =	spop (v2sf);
	[tilespmem:v16+s29+$0x0] =	vst.idx.msk vm3, v60;
	v16 =	vadd.s32 s16, v19;
	v19 =	vsel vm8, $0xFFFFFFFF, v0  }
0xc6: {  	v12 =	vmovc v24;
	vm15 =	vmor vm0, vm1;
	s15 =	sadd.s32 s15, s21;
	v19 =	vadd.s32 v19, v23;
	v23 =	vsel vm11, $0xFFFFFFFF, v0  }
0xc7: {  	[tilespmem:v17+s28+$0x0] =	vst.idx.msk vm9, v61;
	v24, _, _ =	vpop (xrf0);
	(xrf0) =	vadd.scan.msk.s32 $0xffff, v22;
	v19 =	vadd.s32 s15, v19;
	s15 =	sadd.s32 s15, s17;
	v20 =	vadd.s32 v23, v20  }
0xc8: {  	s12 =	sadd.s32 $0x8, s12;
	v22 =	vsel vm12, $0xFFFFFFFF, v0;
	[tilespmem:v17+s29+$0x0] =	vst.idx.msk vm9, v59;
	vm0 =	vlt.s32 v19, v5;
	v17 =	vadd.s32 s15, v20  }
0xc9: {  	p0 =	slt.u32 s12, $0x5D0;
	s19 =	spop (v2sf);
	v15 =	vadd.s32 v22, v15;
	vm0 =	vmand vm8, vm0;
	vm1 =	vlt.s32 v17, v5  }
.Ltmp0:
0xca: {  	v9 =	vmovc v29;
	s20 =	spop (v2sf);
	v22 =	vsel vm15, $0x1, v0;
	s15 =	sadd.s32 s15, s19;
	[tilespmem:v16+s28+$0x0] =	vst.idx.msk vm6, v63;
	vm5 =	vmor vm7, vm0;
	vm0 =	vmand vm11, vm1;
	(pc) =	sbr.rel @p0 .LBB2_2-.Ltmp0, $4  }
0xcb: {  	s17 =	spop (v2sf);
	vm1 =	vlt.s32 v9, v4;
	vm7 =	vmmov vm10;
	[tilespmem:v16+s29+$0x0] =	vst.idx.msk vm6, v27;
	v16 =	vadd.s32 s15, v15  }
0xcc: {  	(xrf0) =	vadd.scan.msk.s32 $0xffff, v22;
	s21 =	spop (v2sf);
	v23 =	vsel vm5, $0x1, v0;
	vm6 =	vmor vm1, vm0;
	vm1 =	vlt.s32 v16, v5  }
0xcd: {  	s14 =	sadd.s32 $0x80, s14;
	s18 =	sadd.s32 s15, s21;
	vm0 =	vlt.s32 v12, v4;
	v15, _, _ =	vpop (xrf0);
	(xrf0) =	vadd.scan.msk.s32 $0xffff, v23;
	v20 =	vsel vm6, $0x1, v0;
	vm1 =	vmand vm12, vm1  }
0xce: {  	s8 =	smov.u32 s13;
	s13 =	sadd.s32 $0x80, s13;
	v13 =	vmovc v25;
	s15 =	sadd.s32 s18, s20;
	(v2sf) =	vpush v15, $0xF;
	v16 =	vsub.s32 v24, v18;
	(xrf0) =	vadd.scan.msk.s32 $0xffff, v20;
	vm3 =	vmor vm0, vm1  }
0xcf: {  	_ =	sdelay $0x2  }
0xd0: {  	v17, _, _ =	vpop (xrf0)  }
0xd1: {  	(v2sf) =	vpush v17, $0xF  }
0xd2: {  	v18 =	vsel vm3, $0x1, v0;
	(v2sf) =	vpush v24, $0xF  }
0xd3: {  	v21 =	vadd.s32 s18, v21;
	(xrf0) =	vadd.scan.msk.s32 $0xffff, v18;
	v19, _, _ =	vpop (xrf0)  }
0xd4: {  	vm0 =	vlt.s32 v21, v5;
	(v2sf) =	vpush v19, $0xF  }
0xd5: {  	vm1 =	vlt.s32 v8, v4;
	vm0 =	vmand vm2, vm0  }
0xd6: {  	vm1 =	vmor vm1, vm0  }
0xd7: {  	v49 =	vsel vm1, $0x1, v0  }
0xd8: {  	v25 =	vsel vm4, $0xFFFFFFFF, v0;
	v50, _, _ =	vpop (xrf0);
	(xrf0) =	vadd.scan.msk.s32 $0xffff, v49  }
0xd9: {  	v15 =	vadd.s32 v25, v15;
	v26, _, _ =	vpop (xrf0)  }
0xda: {  	v15 =	vadd.s32 s15, v15;
	(v2sf) =	vpush v26, $0xF  }
0xdb: {  	vm13 =	vlt.s32 v15, v5;
	(v2sf) =	vpush v50, $0xF  }
0xdc: {  	vm8 =	vlt.s32 v13, v4;
	vm0 =	vmand vm4, vm13  }
0xdd: {  	vm4 =	vmor vm8, vm0  }
0xde: {  	s13 =	spop (v2sf);
	v52 =	vsel vm4, $0x1, v0;
	v51, _, _ =	vpop (xrf0)  }
0xdf: {  	(xrf0) =	vadd.scan.msk.s32 $0xffff, v52;
	(v2sf) =	vpush v51, $0xF;
	s12 =	spop (v2sf)  }
0xe0: {  	s13 =	sadd.s32 s16, s13;
	s14 =	spop (v2sf)  }
0xe1: {  	s16 =	sadd.s32 s13, s17;
	s20 =	spop (v2sf)  }
0xe2: {  	v14 =	vadd.s32 s13, v14;
	s17 =	sadd.s32 s16, s20  }
0xe3: {  	v19 =	vsub.s32 v19, v23;
	s21 =	spop (v2sf);
	s14 =	sadd.s32 s17, s14  }
0xe4: {  	v20 =	vsub.s32 v50, v20;
	v19 =	vadd.s32 s14, v19;
	s14 =	sadd.s32 s14, s21  }
0xe5: {  	v17 =	vsub.s32 v17, v22;
	v53, _, _ =	vpop (xrf0);
	v20 =	vadd.s32 s14, v20  }
0xe6: {  	s18 =	sadd.s32 $0xFFFFFF90, s8;
	v6 =	vxor.u32 $0x80000000, v6;
	(v2sf) =	vpush v53, $0xF;
	v17 =	vadd.s32 s17, v17  }
0xe7: {  	v54 =	vor.u32 s18, v1;
	[tilespmem:v14+s28+$0x0] =	vst.idx.msk vm7, v6  }
0xe8: {  	v7 =	vxor.u32 $0x80000000, v7;
	[tilespmem:v14+s29+$0x0] =	vst.idx.msk vm7, v54  }
0xe9: {  	s19 =	spop (v2sf);
	[tilespmem:v19+s28+$0x0] =	vst.idx.msk vm5, v7;
	v7 =	vxor.u32 $0x80000000, v9  }
0xea: {  	v11 =	vxor.u32 $0x80000000, v11;
	s20 =	sadd.s32 $0xFFFFFFD0, s8;
	s21 =	spop (v2sf);
	[tilespmem:v20+s28+$0x0] =	vst.idx.msk vm6, v7;
	v7 =	vadd.s32 s16, v16  }
0xeb: {  	v55 =	vsub.s32 v26, v18;
	v6 =	vor.u32 s20, v1;
	[tilespmem:v17+s28+$0x0] =	vst.idx.msk vm15, v11;
	s13 =	sadd.s32 s14, s21  }
0xec: {  	v57 =	vor.u32 s11, v1;
	s16 =	sadd.s32 $0xFFFFFFB0, s8;
	[tilespmem:v20+s29+$0x0] =	vst.idx.msk vm6, v6;
	v6 =	vadd.s32 s13, v55  }
0xed: {  	v58 =	vsub.s32 v51, v49;
	s17 =	sadd.s32 s13, s19;
	[tilespmem:v19+s29+$0x0] =	vst.idx.msk vm5, v57;
	v56 =	vor.u32 s16, v1  }
0xee: {  	v59 =	vxor.u32 $0x80000000, v10;
	s18 =	spop (v2sf);
	v60 =	vadd.s32 s17, v58;
	[tilespmem:v17+s29+$0x0] =	vst.idx.msk vm15, v56  }
0xef: {  	v61 =	vor.u32 s9, v1;
	v62 =	vsub.s32 v53, v52;
	s11 =	sadd.s32 s17, s18;
	[tilespmem:v7+s28+$0x0] =	vst.idx.msk vm14, v59  }
0xf0: {  	s19 =	sadd.s32 $0xFFFFFFE0, s8;
	v9 =	vadd.s32 s11, v62;
	[tilespmem:v7+s29+$0x0] =	vst.idx.msk vm14, v61;
	v7 =	vxor.u32 $0x80000000, v12  }
0xf1: {  	v63 =	vor.u32 s19, v1;
	[tilespmem:v6+s28+$0x0] =	vst.idx.msk vm3, v7  }
0xf2: {  	s20 =	sadd.s32 $0xFFFFFFF0, s8;
	v7 =	vxor.u32 $0x80000000, v8;
	[tilespmem:v6+s29+$0x0] =	vst.idx.msk vm3, v63  }
0xf3: {  	v6 =	vor.u32 s20, v1;
	[tilespmem:v60+s28+$0x0] =	vst.idx.msk vm1, v7  }
0xf4: {  	v7 =	vxor.u32 $0x80000000, v13;
	[tilespmem:v60+s29+$0x0] =	vst.idx.msk vm1, v6  }
0xf5: {  	s9 =	sadd.s32 s15, s12;
	s21 =	spop (v2sf);
	v6 =	vor.u32 s8, v1;
	[tilespmem:v9+s28+$0x0] =	vst.idx.msk vm4, v7  }
0xf6: {  	s12 =	simm.s32 $0x5D80;
	s11 =	sadd.s32 s11, s21;
	s8 =	simm.s32 $0x5D80;
	[tilespmem:v9+s29+$0x0] =	vst.idx.msk vm4, v6  }
.LBB2_4:
0xf7: {  	v6 =	vld [tilespmem:s8+$0x0];
	_ =	sdelay $0x4  }
0xf8: {  	vm0 =	vlt.s32 v6, $0x0;
	v7 =	vxor.u32 $0x7FFFFFFF, v6  }
0xf9: {  	v6 =	vsel vm0, v7, v6  }
0xfa: {  	vm0 =	veq.s32 v6, v4  }
0xfb: {  	v7 =	vsel vm0, $0x1, v0  }
0xfc: {  	(xrf0) =	vadd.scan.msk.s32 $0xffff, v7;
	_ =	sdelay $0x4  }
0xfd: {  	v7 =	vsel vm0, $0xFFFFFFFF, v0  }
0xfe: {  	v7 =	vadd.s32 s9, v7;
	v8, _, _ =	vpop (xrf0)  }
0xff: {  	v7 =	vadd.s32 v8, v7  }
0x100: {  	vm1 =	vlt.s32 v7, v5  }
0x101: {  	vm2 =	vlt.s32 v6, v4;
	vm0 =	vmand vm0, vm1  }
0x102: {  	vm0 =	vmor vm2, vm0  }
0x103: {  	v7 =	vsel vm0, $0x1, v0  }
0x104: {  	(xrf0) =	vadd.scan.msk.s32 $0xffff, v7;
	_ =	sdelay $0x5  }
0x105: {  	v9, _, _ =	vpop (xrf0)  }
0x106: {  	(v2sf) =	vpush v9, $0xF  }
0x107: {  	(v2sf) =	vpush v8, $0xF;
	_ =	sdelay $0x8  }
0x108: {  	v7 =	vsub.s32 v9, v7  }
0x109: {  	v7 =	vadd.s32 s11, v7  }
0x10a: {  	p0 =	sne.s32 s12, $0x5DB0  }
.Ltmp1:
0x10b: {  	_ = 	snop;
	(pc) =	sbr.rel @p0 .LBB2_4-.Ltmp1, $4  }
0x10c: {  	_ = 	snop  }
0x10d: {  	v6 =	vxor.u32 $0x80000000, v6;
	s13 =	spop (v2sf)  }
0x10e: {  	s8 =	sadd.s32 $0x10, s8;
	[tilespmem:v7+s28+$0x0] =	vst.idx.msk vm0, v6;
	v6 =	vor.u32 s12, v1;
	s21 =	spop (v2sf)  }
0x10f: {  	s12 =	sadd.s32 $0x10, s12;
	[tilespmem:v7+s29+$0x0] =	vst.idx.msk vm0, v6;
	s11 =	sadd.s32 s11, s13;
	s9 =	sadd.s32 s9, s21  }
0x110: {  	s8 =	rddreg [dreg:$0x9]  }
0x111: {  	[tilespmem:s2], [sflag:$0x1] =	stream.strided.gather [hbm4b:s8+s22], $0x5E00, s23, s22, $0x38;
	[tilespmem:$0x17300] =	vst v63  }
0x112: {  	s21 =	rddreg [dreg:$0xa];
	s8 =	simm.s32 $0x16240  }
0x113: {  	[tilespmem:s30], [sflag:$0x3] =	stream.linear.gather [hbm4b:s21+s2], $0x5E00, $0x38;
	[tilespmem:$0x17300] =	vst v63  }
0x114: {  	[tilespmem:s8+$0xFFFFFFC0] =	vst v0  }
0x115: {  	[tilespmem:s8+$0x30] =	vst v0  }
0x116: {  	[tilespmem:s8+$0x20] =	vst v0  }
0x117: {  	[tilespmem:s8+$0x10] =	vst v0  }
0x118: {  	[tilespmem:s8+$0x0] =	vst v0  }
0x119: {  	[tilespmem:s8+$0xFFFFFFF0] =	vst v0  }
0x11a: {  	s9 =	simm.s32 $0x0;
	[tilespmem:s8+$0xFFFFFFE0] =	vst v0  }
.LBB2_6:
0x11b: {  	s9 =	sadd.s32 $0x8, s9;
	[tilespmem:s8+$0xFFFFFFD0] =	vst v0;
	s8 =	sadd.s32 $0x80, s8  }
0x11c: {  	[tilespmem:s8+$0xFFFFFFC0] =	vst v0;
	p0 =	slt.u32 s9, $0x78  }
0x11d: {  	[tilespmem:s8+$0x30] =	vst v0  }
.Ltmp2:
0x11e: {  	[tilespmem:s8+$0x20] =	vst v0;
	(pc) =	sbr.rel @p0 .LBB2_6-.Ltmp2, $4  }
0x11f: {  	[tilespmem:s8+$0x10] =	vst v0  }
0x120: {  	[tilespmem:s8+$0x0] =	vst v0  }
0x121: {  	[tilespmem:s8+$0xFFFFFFF0] =	vst v0  }
0x122: {  	[tilespmem:s8+$0xFFFFFFE0] =	vst v0  }
0x123: {  	[tilespmem:s8+$0xFFFFFFD0] =	vst v0;
	s8 =	simm.s32 $0x0;
	s11 =	simm.s32 $0x0;
	s9 =	simm.s32 $0x40  }
.LBB2_8:
0x124: {  	p0 =	sne.s32 s9, $0x2FC0;
	v4 =	vld [tilespmem:s11+$0x11A00];
	_ =	sdelay $0x4  }
0x125: {  	v4 =	vand.u32 $0x7FF, v4  }
0x126: {  	(xrf1) =	vunique.msk.u32 $0xffff, v4;
	_ =	sdelay $0xd  }
0x127: {  	_, v5, vm0 =	vpop (xrf1);
	_ =	sdelay $0x1  }
.Ltmp3:
0x128: {  	(pc) =	sbr.rel @p0 .LBB2_8-.Ltmp3, $3  }
0x129: {  	_ =	sdelay $0x1  }
0x12a: {  	v5 =	vadd.s32 v3, v5  }
0x12b: {  	s11 =	sshra.s32 s9, $0x2;
	s9 =	sadd.s32 $0x40, s9;
	[tilespmem:v4+s31+$0x0] =	vst.idx.add.s32.msk vm0, v5  }
0x12c: {  	v4 =	vld [tilespmem:s11+$0x11A00];
	_ =	sdelay $0x4  }
0x12d: {  	v4 =	vand.u32 $0x7FF, v4  }
0x12e: {  	(xrf1) =	vunique.msk.u32 $0xffff, v4;
	_ =	sdelay $0xd  }
0x12f: {  	_, v5, vm0 =	vpop (xrf1);
	_ =	sdelay $0x4  }
0x130: {  	v5 =	vadd.s32 v3, v5  }
0x131: {  	s12 =	simm.s32 $0x0;
	[tilespmem:v4+s31+$0x0] =	vst.idx.add.s32.msk vm0, v5  }
0x132: {  	s9 =	simm.s32 $0x10;
	v5 =	vld [tilespmem:s12+$0x16200]  }
0x133: {  	v4 =	vld [tilespmem:s9+$0x16200];
	_ =	sdelay $0x3  }
0x134: {  	(xrf0) =	vadd.scan.msk.s32 $0xffff, v5  }
0x135: {  	(xrf0) =	vadd.scan.msk.s32 $0xffff, v4;
	_ =	sdelay $0x4  }
0x136: {  	s11 =	simm.s32 $0x20;
	v9, _, _ =	vpop (xrf0)  }
0x137: {  	v7 =	vld [tilespmem:s11+$0x16200];
	(v2sf) =	vpush v9, $0xF;
	v8, _, _ =	vpop (xrf0)  }
0x138: {  	(v2sf) =	vpush v8, $0xF;
	_ =	sdelay $0x3  }
0x139: {  	s13 =	simm.s32 $0x30;
	(xrf0) =	vadd.scan.msk.s32 $0xffff, v7  }
0x13a: {  	v6 =	vld [tilespmem:s13+$0x16200];
	_ =	sdelay $0x3  }
0x13b: {  	s14 =	simm.s32 $0x100  }
.LBB2_10:
0x13c: {  	s15 =	sshra.s32 s14, $0x2;
	p0 =	sne.s32 s14, $0x1FC0;
	s14 =	sadd.s32 $0x40, s14;
	(xrf0) =	vadd.scan.msk.s32 $0xffff, v6;
	v10, _, _ =	vpop (xrf0);
	v11 =	vsub.s32 s8, v5;
	v5 =	vmov v4;
	v4 =	vmov v7  }
.Ltmp4:
0x13d: {  	v7 =	vmovc v6;
	(v2sf) =	vpush v10, $0xF;
	v11 =	vadd.s32 v9, v11;
	v9 =	vmovc v8;
	v8 =	vmov v10;
	v6 =	vld [tilespmem:s15+$0x16200];
	(pc) =	sbr.rel @p0 .LBB2_10-.Ltmp4, $4  }
0x13e: {  	[tilespmem:s12+$0x16A00] =	vst v11;
	s12 =	smov.u32 s9;
	s9 =	smov.u32 s11;
	s11 =	smov.u32 s13  }
0x13f: {  	s13 =	smov.u32 s15  }
0x140: {  	s15 =	spop (v2sf)  }
0x141: {  	s8 =	sadd.s32 s8, s15  }
0x142: {  	v10, _, _ =	vpop (xrf0)  }
0x143: {  	(v2sf) =	vpush v10, $0xF;
	_ =	sdelay $0x3  }
0x144: {  	(xrf0) =	vadd.scan.msk.s32 $0xffff, v6;
	_ =	sdelay $0x5  }
0x145: {  	v11, _, _ =	vpop (xrf0)  }
0x146: {  	(v2sf) =	vpush v11, $0xF;
	_ =	sdelay $0x1  }
0x147: {  	s14 =	spop (v2sf)  }
0x148: {  	v5 =	vsub.s32 s8, v5;
	s18 =	sadd.s32 s8, s14;
	s19 =	spop (v2sf)  }
0x149: {  	v5 =	vadd.s32 v9, v5;
	v4 =	vsub.s32 s18, v4;
	s8 =	sadd.s32 s18, s19;
	s20 =	spop (v2sf)  }
0x14a: {  	[tilespmem:s12+$0x16A00] =	vst v5;
	v4 =	vadd.s32 v8, v4;
	v5 =	vsub.s32 s8, v7;
	s8 =	sadd.s32 s8, s20  }
0x14b: {  	[tilespmem:s9+$0x16A00] =	vst v4;
	v4 =	vadd.s32 v10, v5;
	v5 =	vsub.s32 s8, v6  }
0x14c: {  	[tilespmem:s11+$0x16A00] =	vst v4;
	v4 =	vadd.s32 v11, v5  }
0x14d: {  	s8 =	simm.s32 $0x16240;
	[tilespmem:s13+$0x16A00] =	vst v4  }
0x14e: {  	[tilespmem:s8+$0xFFFFFFC0] =	vst v0  }
0x14f: {  	[tilespmem:s8+$0x30] =	vst v0  }
0x150: {  	[tilespmem:s8+$0x20] =	vst v0  }
0x151: {  	[tilespmem:s8+$0x10] =	vst v0  }
0x152: {  	[tilespmem:s8+$0x0] =	vst v0  }
0x153: {  	[tilespmem:s8+$0xFFFFFFF0] =	vst v0  }
0x154: {  	s9 =	simm.s32 $0x0;
	[tilespmem:s8+$0xFFFFFFE0] =	vst v0;
	s21 =	spop (v2sf)  }
.LBB2_12:
0x155: {  	s9 =	sadd.s32 $0x8, s9;
	[tilespmem:s8+$0xFFFFFFD0] =	vst v0;
	s8 =	sadd.s32 $0x80, s8  }
0x156: {  	[tilespmem:s8+$0xFFFFFFC0] =	vst v0;
	p0 =	slt.u32 s9, $0x78  }
0x157: {  	[tilespmem:s8+$0x30] =	vst v0  }
.Ltmp5:
0x158: {  	[tilespmem:s8+$0x20] =	vst v0;
	(pc) =	sbr.rel @p0 .LBB2_12-.Ltmp5, $4  }
0x159: {  	[tilespmem:s8+$0x10] =	vst v0  }
0x15a: {  	[tilespmem:s8+$0x0] =	vst v0  }
0x15b: {  	[tilespmem:s8+$0xFFFFFFF0] =	vst v0  }
0x15c: {  	[tilespmem:s8+$0xFFFFFFE0] =	vst v0  }
0x15d: {  	[tilespmem:s8+$0xFFFFFFD0] =	vst v0;
	s8 =	simm.s32 $0x0  }
0x15e: {  	v4 =	vld [tilespmem:s8+$0x11A00];
	_ =	sdelay $0x1  }
0x15f: {  	s9 =	simm.s32 $0x0;
	s11 =	simm.s32 $0x40;
	v5 =	vld [tilespmem:s8+$0x12600]  }
.LBB2_14:
0x160: {  	p0 =	sne.s32 s11, $0x2FC0;
	_ =	sdelay $0x1  }
0x161: {  	v6 =	vand.u32 $0x7FF, v4  }
0x162: {  	(xrf1) =	vunique.msk.u32 $0xffff, v6;
	_ =	sdelay $0x1  }
0x163: {  	v7 =	vshrl.u32 v4, $0xB  }
0x164: {  	v7 =	vand.u32 $0x7FF, v7  }
0x165: {  	(xrf1) =	vunique.msk.u32 $0xffff, v7;
	_ =	sdelay $0x5  }
0x166: {  	v8 =	vld.idx.msk [tilespmem:v6+s1+$0x0], $0xffff;
	_ =	sdelay $0x3  }
0x167: {  	_, v9, vm0 =	vpop (xrf1)  }
0x168: {  	v9 =	vsub.s32 v9, v2  }
0x169: {  	v8 =	vadd.s32 v8, v9;
	_ =	sdelay $0x1  }
0x16a: {  	_, v10, vm1 =	vpop (xrf1);
	_ =	sdelay $0x2  }
0x16b: {  	[tilespmem:v8+s0+$0x0] =	vst.idx.msk $0xffff, v4  }
0x16c: {  	v4 =	vadd.s32 $0x1, v9;
	[tilespmem:v8+s25+$0x0] =	vst.idx.msk $0xffff, v5  }
.Ltmp6:
0x16d: {  	[tilespmem:v6+s1+$0x0] =	vst.idx.add.s32.msk vm0, v4;
	v4 =	vadd.s32 v3, v10;
	(pc) =	sbr.rel @p0 .LBB2_14-.Ltmp6, $4  }
0x16e: {  	s12 =	sshra.s32 s11, $0x2;
	[tilespmem:v7+s31+$0x0] =	vst.idx.add.s32.msk vm1, v4  }
0x16f: {  	v4 =	vld [tilespmem:s12+$0x11A00]  }
0x170: {  	v5 =	vld [tilespmem:s12+$0x12600]  }
0x171: {  	s11 =	sadd.s32 $0x40, s11  }
0x172: {  	_ =	sdelay $0x1  }
0x173: {  	v6 =	vand.u32 $0x7FF, v4  }
0x174: {  	(xrf1) =	vunique.msk.u32 $0xffff, v6;
	_ =	sdelay $0x1  }
0x175: {  	v7 =	vshrl.u32 v4, $0xB  }
0x176: {  	v7 =	vand.u32 $0x7FF, v7  }
0x177: {  	(xrf1) =	vunique.msk.u32 $0xffff, v7;
	_ =	sdelay $0x6  }
0x178: {  	v8 =	vld.idx.msk [tilespmem:v6+s1+$0x0], $0xffff;
	_ =	sdelay $0x2  }
0x179: {  	_, v9, vm0 =	vpop (xrf1)  }
0x17a: {  	v9 =	vsub.s32 v9, v2  }
0x17b: {  	v8 =	vadd.s32 v8, v9;
	_ =	sdelay $0x1  }
0x17c: {  	_, v10, vm1 =	vpop (xrf1);
	_ =	sdelay $0x2  }
0x17d: {  	[tilespmem:v8+s0+$0x0] =	vst.idx.msk $0xffff, v4  }
0x17e: {  	v4 =	vadd.s32 $0x1, v9;
	[tilespmem:v8+s25+$0x0] =	vst.idx.msk $0xffff, v5  }
0x17f: {  	[tilespmem:v6+s1+$0x0] =	vst.idx.add.s32.msk vm0, v4;
	v4 =	vadd.s32 v3, v10  }
0x180: {  	[tilespmem:v7+s31+$0x0] =	vst.idx.add.s32.msk vm1, v4  }
0x181: {  	s11 =	simm.s32 $0x10;
	v5 =	vld [tilespmem:s8+$0x16200]  }
0x182: {  	v4 =	vld [tilespmem:s11+$0x16200];
	_ =	sdelay $0x3  }
0x183: {  	(xrf0) =	vadd.scan.msk.s32 $0xffff, v5  }
0x184: {  	(xrf0) =	vadd.scan.msk.s32 $0xffff, v4;
	_ =	sdelay $0x4  }
0x185: {  	s12 =	simm.s32 $0x20;
	v9, _, _ =	vpop (xrf0)  }
0x186: {  	v7 =	vld [tilespmem:s12+$0x16200];
	(v2sf) =	vpush v9, $0xF;
	v8, _, _ =	vpop (xrf0)  }
0x187: {  	(v2sf) =	vpush v8, $0xF;
	_ =	sdelay $0x3  }
0x188: {  	s13 =	simm.s32 $0x30;
	(xrf0) =	vadd.scan.msk.s32 $0xffff, v7  }
0x189: {  	v6 =	vld [tilespmem:s13+$0x16200];
	_ =	sdelay $0x3  }
0x18a: {  	s14 =	simm.s32 $0x100  }
.LBB2_16:
0x18b: {  	s15 =	sshra.s32 s14, $0x2;
	p0 =	sne.s32 s14, $0x1FC0;
	s14 =	sadd.s32 $0x40, s14;
	(xrf0) =	vadd.scan.msk.s32 $0xffff, v6;
	v10, _, _ =	vpop (xrf0);
	v11 =	vsub.s32 s9, v5;
	v5 =	vmov v4;
	v4 =	vmov v7  }
.Ltmp7:
0x18c: {  	v7 =	vmovc v6;
	(v2sf) =	vpush v10, $0xF;
	v11 =	vadd.s32 v9, v11;
	v9 =	vmovc v8;
	v8 =	vmov v10;
	v6 =	vld [tilespmem:s15+$0x16200];
	(pc) =	sbr.rel @p0 .LBB2_16-.Ltmp7, $4  }
0x18d: {  	[tilespmem:s8+$0x16A00] =	vst v11;
	s8 =	smov.u32 s11;
	s11 =	smov.u32 s12;
	s12 =	smov.u32 s13  }
0x18e: {  	s13 =	smov.u32 s15  }
0x18f: {  	s15 =	spop (v2sf)  }
0x190: {  	s9 =	sadd.s32 s9, s15  }
0x191: {  	v10, _, _ =	vpop (xrf0)  }
0x192: {  	(v2sf) =	vpush v10, $0xF;
	_ =	sdelay $0x3  }
0x193: {  	(xrf0) =	vadd.scan.msk.s32 $0xffff, v6;
	_ =	sdelay $0x5  }
0x194: {  	v11, _, _ =	vpop (xrf0)  }
0x195: {  	(v2sf) =	vpush v11, $0xF;
	_ =	sdelay $0x1  }
0x196: {  	s14 =	spop (v2sf)  }
0x197: {  	v5 =	vsub.s32 s9, v5;
	s17 =	sadd.s32 s9, s14;
	s18 =	spop (v2sf)  }
0x198: {  	v5 =	vadd.s32 v9, v5;
	v4 =	vsub.s32 s17, v4;
	s9 =	sadd.s32 s17, s18;
	s19 =	spop (v2sf)  }
0x199: {  	[tilespmem:s8+$0x16A00] =	vst v5;
	v4 =	vadd.s32 v8, v4;
	v5 =	vsub.s32 s9, v7;
	s20 =	sadd.s32 s9, s19  }
0x19a: {  	[tilespmem:s11+$0x16A00] =	vst v4;
	v4 =	vadd.s32 v10, v5;
	v5 =	vsub.s32 s20, v6  }
0x19b: {  	[tilespmem:s12+$0x16A00] =	vst v4;
	v4 =	vadd.s32 v11, v5  }
0x19c: {  	s8 =	simm.s32 $0x16240;
	[tilespmem:s13+$0x16A00] =	vst v4  }
0x19d: {  	[tilespmem:s8+$0xFFFFFFC0] =	vst v0  }
0x19e: {  	[tilespmem:s8+$0x30] =	vst v0  }
0x19f: {  	[tilespmem:s8+$0x20] =	vst v0  }
0x1a0: {  	[tilespmem:s8+$0x10] =	vst v0  }
0x1a1: {  	[tilespmem:s8+$0x0] =	vst v0  }
0x1a2: {  	[tilespmem:s8+$0xFFFFFFF0] =	vst v0  }
0x1a3: {  	s9 =	simm.s32 $0x0;
	[tilespmem:s8+$0xFFFFFFE0] =	vst v0;
	s21 =	spop (v2sf)  }
.LBB2_18:
0x1a4: {  	s9 =	sadd.s32 $0x8, s9;
	[tilespmem:s8+$0xFFFFFFD0] =	vst v0;
	s8 =	sadd.s32 $0x80, s8  }
0x1a5: {  	[tilespmem:s8+$0xFFFFFFC0] =	vst v0;
	p0 =	slt.u32 s9, $0x78  }
0x1a6: {  	[tilespmem:s8+$0x30] =	vst v0  }
.Ltmp8:
0x1a7: {  	[tilespmem:s8+$0x20] =	vst v0;
	(pc) =	sbr.rel @p0 .LBB2_18-.Ltmp8, $4  }
0x1a8: {  	[tilespmem:s8+$0x10] =	vst v0  }
0x1a9: {  	[tilespmem:s8+$0x0] =	vst v0  }
0x1aa: {  	[tilespmem:s8+$0xFFFFFFF0] =	vst v0  }
0x1ab: {  	[tilespmem:s8+$0xFFFFFFE0] =	vst v0  }
0x1ac: {  	[tilespmem:s8+$0xFFFFFFD0] =	vst v0;
	s8 =	simm.s32 $0x0  }
0x1ad: {  	v4 =	vld [tilespmem:s8+$0x13200];
	_ =	sdelay $0x1  }
0x1ae: {  	s9 =	simm.s32 $0x0;
	s11 =	simm.s32 $0x40;
	v5 =	vld [tilespmem:s8+$0x13E00]  }
.LBB2_20:
0x1af: {  	p0 =	sne.s32 s11, $0x2FC0;
	_ =	sdelay $0x1  }
0x1b0: {  	v6 =	vshrl.u32 v4, $0xB  }
0x1b1: {  	v6 =	vand.u32 $0x7FF, v6  }
0x1b2: {  	(xrf1) =	vunique.msk.u32 $0xffff, v6;
	_ =	sdelay $0x2  }
0x1b3: {  	v7 =	vshrl.u32 v4, $0x16  }
0x1b4: {  	(xrf1) =	vunique.msk.u32 $0xffff, v7;
	_ =	sdelay $0x5  }
0x1b5: {  	v8 =	vld.idx.msk [tilespmem:v6+s1+$0x0], $0xffff;
	_ =	sdelay $0x3  }
0x1b6: {  	_, v9, vm0 =	vpop (xrf1)  }
0x1b7: {  	v9 =	vsub.s32 v9, v2  }
0x1b8: {  	v8 =	vadd.s32 v8, v9;
	_ =	sdelay $0x1  }
0x1b9: {  	_, v10, vm1 =	vpop (xrf1);
	_ =	sdelay $0x2  }
0x1ba: {  	[tilespmem:v8+s28+$0x0] =	vst.idx.msk $0xffff, v4  }
0x1bb: {  	v4 =	vadd.s32 $0x1, v9;
	[tilespmem:v8+s29+$0x0] =	vst.idx.msk $0xffff, v5  }
.Ltmp9:
0x1bc: {  	[tilespmem:v6+s1+$0x0] =	vst.idx.add.s32.msk vm0, v4;
	v4 =	vadd.s32 v3, v10;
	(pc) =	sbr.rel @p0 .LBB2_20-.Ltmp9, $4  }
0x1bd: {  	s12 =	sshra.s32 s11, $0x2;
	[tilespmem:v7+s31+$0x0] =	vst.idx.add.s32.msk vm1, v4  }
0x1be: {  	v4 =	vld [tilespmem:s12+$0x13200]  }
0x1bf: {  	v5 =	vld [tilespmem:s12+$0x13E00]  }
0x1c0: {  	s11 =	sadd.s32 $0x40, s11  }
0x1c1: {  	_ =	sdelay $0x1  }
0x1c2: {  	v6 =	vshrl.u32 v4, $0xB  }
0x1c3: {  	v6 =	vand.u32 $0x7FF, v6  }
0x1c4: {  	(xrf1) =	vunique.msk.u32 $0xffff, v6;
	_ =	sdelay $0x2  }
0x1c5: {  	v7 =	vshrl.u32 v4, $0x16  }
0x1c6: {  	(xrf1) =	vunique.msk.u32 $0xffff, v7;
	_ =	sdelay $0x6  }
0x1c7: {  	v8 =	vld.idx.msk [tilespmem:v6+s1+$0x0], $0xffff;
	_ =	sdelay $0x2  }
0x1c8: {  	_, v9, vm0 =	vpop (xrf1)  }
0x1c9: {  	v9 =	vsub.s32 v9, v2  }
0x1ca: {  	v8 =	vadd.s32 v8, v9;
	_ =	sdelay $0x1  }
0x1cb: {  	_, v10, vm1 =	vpop (xrf1);
	_ =	sdelay $0x2  }
0x1cc: {  	[tilespmem:v8+s28+$0x0] =	vst.idx.msk $0xffff, v4  }
0x1cd: {  	v4 =	vadd.s32 $0x1, v9;
	[tilespmem:v8+s29+$0x0] =	vst.idx.msk $0xffff, v5  }
0x1ce: {  	[tilespmem:v6+s1+$0x0] =	vst.idx.add.s32.msk vm0, v4;
	v4 =	vadd.s32 v3, v10  }
0x1cf: {  	[tilespmem:v7+s31+$0x0] =	vst.idx.add.s32.msk vm1, v4  }
0x1d0: {  	s11 =	simm.s32 $0x10;
	v5 =	vld [tilespmem:s8+$0x16200]  }
0x1d1: {  	v4 =	vld [tilespmem:s11+$0x16200];
	_ =	sdelay $0x3  }
0x1d2: {  	(xrf0) =	vadd.scan.msk.s32 $0xffff, v5  }
0x1d3: {  	(xrf0) =	vadd.scan.msk.s32 $0xffff, v4;
	_ =	sdelay $0x4  }
0x1d4: {  	s12 =	simm.s32 $0x20;
	v9, _, _ =	vpop (xrf0)  }
0x1d5: {  	v7 =	vld [tilespmem:s12+$0x16200];
	(v2sf) =	vpush v9, $0xF;
	v8, _, _ =	vpop (xrf0)  }
0x1d6: {  	(v2sf) =	vpush v8, $0xF;
	_ =	sdelay $0x3  }
0x1d7: {  	s13 =	simm.s32 $0x30;
	(xrf0) =	vadd.scan.msk.s32 $0xffff, v7  }
0x1d8: {  	v6 =	vld [tilespmem:s13+$0x16200];
	_ =	sdelay $0x3  }
0x1d9: {  	s14 =	simm.s32 $0x100  }
.LBB2_22:
0x1da: {  	s15 =	sshra.s32 s14, $0x2;
	p0 =	sne.s32 s14, $0x1FC0;
	s14 =	sadd.s32 $0x40, s14;
	(xrf0) =	vadd.scan.msk.s32 $0xffff, v6;
	v10, _, _ =	vpop (xrf0);
	v11 =	vsub.s32 s9, v5;
	v5 =	vmov v4;
	v4 =	vmov v7  }
.Ltmp10:
0x1db: {  	v7 =	vmovc v6;
	(v2sf) =	vpush v10, $0xF;
	v11 =	vadd.s32 v9, v11;
	v9 =	vmovc v8;
	v8 =	vmov v10;
	v6 =	vld [tilespmem:s15+$0x16200];
	(pc) =	sbr.rel @p0 .LBB2_22-.Ltmp10, $4  }
0x1dc: {  	[tilespmem:s8+$0x16A00] =	vst v11;
	s8 =	smov.u32 s11;
	s11 =	smov.u32 s12;
	s12 =	smov.u32 s13  }
0x1dd: {  	s13 =	smov.u32 s15  }
0x1de: {  	s15 =	spop (v2sf)  }
0x1df: {  	s9 =	sadd.s32 s9, s15  }
0x1e0: {  	v10, _, _ =	vpop (xrf0)  }
0x1e1: {  	(v2sf) =	vpush v10, $0xF;
	_ =	sdelay $0x3  }
0x1e2: {  	(xrf0) =	vadd.scan.msk.s32 $0xffff, v6;
	_ =	sdelay $0x5  }
0x1e3: {  	v11, _, _ =	vpop (xrf0)  }
0x1e4: {  	(v2sf) =	vpush v11, $0xF;
	_ =	sdelay $0x1  }
0x1e5: {  	s14 =	spop (v2sf)  }
0x1e6: {  	v5 =	vsub.s32 s9, v5;
	s17 =	sadd.s32 s9, s14;
	s18 =	spop (v2sf)  }
0x1e7: {  	v5 =	vadd.s32 v9, v5;
	v4 =	vsub.s32 s17, v4;
	s9 =	sadd.s32 s17, s18;
	s19 =	spop (v2sf)  }
0x1e8: {  	[tilespmem:s8+$0x16A00] =	vst v5;
	v4 =	vadd.s32 v8, v4;
	v5 =	vsub.s32 s9, v7;
	s20 =	sadd.s32 s9, s19  }
0x1e9: {  	[tilespmem:s11+$0x16A00] =	vst v4;
	v4 =	vadd.s32 v10, v5;
	v5 =	vsub.s32 s20, v6  }
0x1ea: {  	[tilespmem:s12+$0x16A00] =	vst v4;
	v4 =	vadd.s32 v11, v5  }
0x1eb: {  	s8 =	simm.s32 $0x16240;
	[tilespmem:s13+$0x16A00] =	vst v4  }
0x1ec: {  	[tilespmem:s8+$0xFFFFFFC0] =	vst v0  }
0x1ed: {  	[tilespmem:s8+$0x30] =	vst v0  }
0x1ee: {  	[tilespmem:s8+$0x20] =	vst v0  }
0x1ef: {  	[tilespmem:s8+$0x10] =	vst v0  }
0x1f0: {  	[tilespmem:s8+$0x0] =	vst v0  }
0x1f1: {  	[tilespmem:s8+$0xFFFFFFF0] =	vst v0  }
0x1f2: {  	s9 =	simm.s32 $0x0;
	[tilespmem:s8+$0xFFFFFFE0] =	vst v0;
	s21 =	spop (v2sf)  }
.LBB2_24:
0x1f3: {  	s9 =	sadd.s32 $0x8, s9;
	[tilespmem:s8+$0xFFFFFFD0] =	vst v0;
	s8 =	sadd.s32 $0x80, s8  }
0x1f4: {  	[tilespmem:s8+$0xFFFFFFC0] =	vst v0;
	p0 =	slt.u32 s9, $0x78  }
0x1f5: {  	[tilespmem:s8+$0x30] =	vst v0  }
.Ltmp11:
0x1f6: {  	[tilespmem:s8+$0x20] =	vst v0;
	(pc) =	sbr.rel @p0 .LBB2_24-.Ltmp11, $4  }
0x1f7: {  	[tilespmem:s8+$0x10] =	vst v0  }
0x1f8: {  	[tilespmem:s8+$0x0] =	vst v0  }
0x1f9: {  	[tilespmem:s8+$0xFFFFFFF0] =	vst v0  }
0x1fa: {  	[tilespmem:s8+$0xFFFFFFE0] =	vst v0  }
0x1fb: {  	[tilespmem:s8+$0xFFFFFFD0] =	vst v0;
	s21 =	simm.s32 $0x0  }
0x1fc: {  	v5 =	vld [tilespmem:s21+$0x11A00]  }
0x1fd: {  	s8 =	simm.s32 $0x40;
	v4 =	vld [tilespmem:s21+$0x12600]  }
.LBB2_26:
0x1fe: {  	p0 =	sne.s32 s8, $0x2FC0;
	_ =	sdelay $0x2  }
0x1ff: {  	v6 =	vshrl.u32 v5, $0x16  }
0x200: {  	(xrf1) =	vunique.msk.u32 $0xffff, v6;
	_ =	sdelay $0x9  }
0x201: {  	v7 =	vld.idx.msk [tilespmem:v6+s1+$0x0], $0xffff;
	_ =	sdelay $0x3  }
0x202: {  	_, v8, vm0 =	vpop (xrf1)  }
0x203: {  	v8 =	vsub.s32 v8, v2  }
0x204: {  	v7 =	vadd.s32 v7, v8;
	v8 =	vadd.s32 $0x1, v8;
	_ =	sdelay $0x4  }
.Ltmp12:
0x205: {  	[tilespmem:v7+s0+$0x0] =	vst.idx.msk $0xffff, v5;
	(pc) =	sbr.rel @p0 .LBB2_26-.Ltmp12, $4  }
0x206: {  	[tilespmem:v7+s25+$0x0] =	vst.idx.msk $0xffff, v4  }
0x207: {  	s9 =	sshra.s32 s8, $0x2;
	[tilespmem:v6+s1+$0x0] =	vst.idx.add.s32.msk vm0, v8  }
0x208: {  	v5 =	vld [tilespmem:s9+$0x11A00]  }
0x209: {  	s8 =	sadd.s32 $0x40, s8;
	v4 =	vld [tilespmem:s9+$0x12600]  }
0x20a: {  	_ =	sdelay $0x2  }
0x20b: {  	v6 =	vshrl.u32 v5, $0x16  }
0x20c: {  	(xrf1) =	vunique.msk.u32 $0xffff, v6;
	_ =	sdelay $0xa  }
0x20d: {  	v7 =	vld.idx.msk [tilespmem:v6+s1+$0x0], $0xffff;
	_ =	sdelay $0x2  }
0x20e: {  	_, v8, vm0 =	vpop (xrf1)  }
0x20f: {  	v8 =	vsub.s32 v8, v2  }
0x210: {  	v7 =	vadd.s32 v7, v8;
	_ =	sdelay $0x4  }
0x211: {  	[tilespmem:v7+s0+$0x0] =	vst.idx.msk $0xffff, v5  }
0x212: {  	v5 =	vadd.s32 $0x1, v8;
	[tilespmem:v7+s25+$0x0] =	vst.idx.msk $0xffff, v4  }
0x213: {  	s8 =	rddreg [dreg:$0xb];
	[tilespmem:v6+s1+$0x0] =	vst.idx.add.s32.msk vm0, v5  }
0x214: {  	[hbm4b:s8+s22] =	stream.strided.scatter [tilespmem:s25], [sflag:$0x4], $0xC00, s23, s22, $0x38;
	[tilespmem:$0x17300] =	vst v63  }
0x215: {  	_ =	swait.ge [sflag:s24], $0xC00  }
0x216: {  	[sflag:s24] =	ssyncset.done $0x0  }
0x217: {  	[sflag:s24] =	ssyncadd.s32 $0xFFFFF400  }
0x218: {  	_ =	swait.ge [sflag:s26], $0x5E00  }
0x219: {  	[sflag:s26] =	ssyncset.done $0x0  }
0x21a: {  	s21 =	simm.s32 $0x13E40;
	s20 =	rddreg [dreg:$0xc];
	[sflag:s26] =	ssyncadd.s32 $0xFFFFA200  }
0x21b: {  	[tilespmem:s3], [sflag:$0x2] =	stream.strided.gather [hbm4b:s20+s22], $0x5E00, s23, s22, $0x38;
	[tilespmem:$0x17300] =	vst v63  }
0x21c: {  	v4 =	vld [tilespmem:s21+$0x30]  }
0x21d: {  	v5 =	vld [tilespmem:s21+$0xFFFFFFD0]  }
0x21e: {  	v6 =	vld [tilespmem:s21+$0xFFFFFFE0]  }
0x21f: {  	v7 =	vld [tilespmem:s21+$0xFFFFFFF0]  }
0x220: {  	v8 =	vld [tilespmem:s21+$0x0]  }
0x221: {  	v10 =	vld [tilespmem:s21+$0x10]  }
0x222: {  	v11 =	vld [tilespmem:s21+$0x20]  }
0x223: {  	v12 =	vld [tilespmem:s21+$0xFFFFFFC0]  }
0x224: {  	v13 =	vld.idx.msk [tilespmem:v4+s2+$0x0], $0xffff  }
0x225: {  	v14 =	vld.idx.msk [tilespmem:v5+s2+$0x0], $0xffff  }
0x226: {  	v9 =	vld.idx.msk [tilespmem:v6+s2+$0x0], $0xffff  }
0x227: {  	v7 =	vld.idx.msk [tilespmem:v7+s2+$0x0], $0xffff  }
0x228: {  	v4 =	vld.idx.msk [tilespmem:v8+s2+$0x0], $0xffff  }
0x229: {  	s8 =	simm.s32 $0x14A40;
	v5 =	vld.idx.msk [tilespmem:v10+s2+$0x0], $0xffff  }
0x22a: {  	v6 =	vld.idx.msk [tilespmem:v11+s2+$0x0], $0xffff;
	[tilespmem:s8+$0x30] =	vst v13  }
0x22b: {  	s9 =	simm.s32 $0x0;
	s11 =	simm.s32 $0x13EC0;
	v8 =	vld.idx.msk [tilespmem:v12+s2+$0x0], $0xffff;
	[tilespmem:s8+$0xFFFFFFD0] =	vst v14  }
.LBB2_28:
0x22c: {  	v10 =	vld [tilespmem:s11+$0x30];
	s9 =	sadd.s32 $0x8, s9;
	[tilespmem:s8+$0xFFFFFFE0] =	vst v9  }
0x22d: {  	v9 =	vld [tilespmem:s11+$0xFFFFFFD0];
	p0 =	slt.u32 s9, $0xB8;
	[tilespmem:s8+$0xFFFFFFF0] =	vst v7  }
0x22e: {  	v7 =	vld [tilespmem:s11+$0xFFFFFFE0];
	[tilespmem:s8+$0x0] =	vst v4  }
0x22f: {  	v4 =	vld [tilespmem:s11+$0xFFFFFFF0];
	[tilespmem:s8+$0x10] =	vst v5  }
0x230: {  	v5 =	vld [tilespmem:s11+$0x0];
	[tilespmem:s8+$0x20] =	vst v6  }
0x231: {  	v6 =	vld [tilespmem:s11+$0x10];
	[tilespmem:s8+$0xFFFFFFC0] =	vst v8  }
0x232: {  	v8 =	vld [tilespmem:s11+$0x20]  }
0x233: {  	v11 =	vld [tilespmem:s11+$0xFFFFFFC0]  }
0x234: {  	v10 =	vld.idx.msk [tilespmem:v10+s2+$0x0], $0xffff  }
0x235: {  	v12 =	vld.idx.msk [tilespmem:v9+s2+$0x0], $0xffff  }
0x236: {  	v9 =	vld.idx.msk [tilespmem:v7+s2+$0x0], $0xffff  }
.Ltmp13:
0x237: {  	v7 =	vld.idx.msk [tilespmem:v4+s2+$0x0], $0xffff;
	(pc) =	sbr.rel @p0 .LBB2_28-.Ltmp13, $4  }
0x238: {  	v4 =	vld.idx.msk [tilespmem:v5+s2+$0x0], $0xffff  }
0x239: {  	s8 =	sadd.s32 $0x80, s8;
	v5 =	vld.idx.msk [tilespmem:v6+s2+$0x0], $0xffff  }
0x23a: {  	v6 =	vld.idx.msk [tilespmem:v8+s2+$0x0], $0xffff;
	[tilespmem:s8+$0x30] =	vst v10  }
0x23b: {  	s11 =	sadd.s32 $0x80, s11;
	v8 =	vld.idx.msk [tilespmem:v11+s2+$0x0], $0xffff;
	[tilespmem:s8+$0xFFFFFFD0] =	vst v12  }
0x23c: {  	[tilespmem:s8+$0xFFFFFFE0] =	vst v9  }
0x23d: {  	[tilespmem:s8+$0xFFFFFFF0] =	vst v7  }
0x23e: {  	[tilespmem:s8+$0x0] =	vst v4  }
0x23f: {  	[tilespmem:s8+$0x10] =	vst v5  }
0x240: {  	[tilespmem:s8+$0x20] =	vst v6  }
0x241: {  	[tilespmem:s8+$0xFFFFFFC0] =	vst v8  }
0x242: {  	[hbm4b:s10+s22] =	stream.strided.scatter [tilespmem:s4], [sflag:$0x4], $0xC00, s23, s22, $0x38;
	[tilespmem:$0x17300] =	vst v63  }
0x243: {  	_ =	swait.ge [sflag:s24], $0xC00  }
0x244: {  	[sflag:s24] =	ssyncset.done $0x0  }
0x245: {  	[sflag:s24] =	ssyncadd.s32 $0xFFFFF400  }
0x246: {  	_ =	swait.ge [sflag:s5], $0x5E00  }
0x247: {  	[sflag:s5] =	ssyncset.done $0x0  }
0x248: {  	s21 =	simm.s32 $0x13E40;
	s20 =	rddreg [dreg:$0xd];
	[sflag:s5] =	ssyncadd.s32 $0xFFFFA200  }
0x249: {  	[tilespmem:s2], [sflag:$0x1] =	stream.strided.gather [hbm4b:s20+s22], $0x5E00, s23, s22, $0x38;
	[tilespmem:$0x17300] =	vst v63  }
0x24a: {  	v4 =	vld [tilespmem:s21+$0x30]  }
0x24b: {  	v5 =	vld [tilespmem:s21+$0xFFFFFFD0]  }
0x24c: {  	v6 =	vld [tilespmem:s21+$0xFFFFFFE0]  }
0x24d: {  	v7 =	vld [tilespmem:s21+$0xFFFFFFF0]  }
0x24e: {  	v8 =	vld [tilespmem:s21+$0x0]  }
0x24f: {  	v10 =	vld [tilespmem:s21+$0x10]  }
0x250: {  	v11 =	vld [tilespmem:s21+$0x20]  }
0x251: {  	v12 =	vld [tilespmem:s21+$0xFFFFFFC0]  }
0x252: {  	v13 =	vld.idx.msk [tilespmem:v4+s3+$0x0], $0xffff  }
0x253: {  	v14 =	vld.idx.msk [tilespmem:v5+s3+$0x0], $0xffff  }
0x254: {  	v9 =	vld.idx.msk [tilespmem:v6+s3+$0x0], $0xffff  }
0x255: {  	v7 =	vld.idx.msk [tilespmem:v7+s3+$0x0], $0xffff  }
0x256: {  	v4 =	vld.idx.msk [tilespmem:v8+s3+$0x0], $0xffff  }
0x257: {  	s8 =	simm.s32 $0x14A40;
	v5 =	vld.idx.msk [tilespmem:v10+s3+$0x0], $0xffff  }
0x258: {  	v6 =	vld.idx.msk [tilespmem:v11+s3+$0x0], $0xffff;
	[tilespmem:s8+$0x30] =	vst v13  }
0x259: {  	s9 =	simm.s32 $0x0;
	s11 =	simm.s32 $0x13EC0;
	v8 =	vld.idx.msk [tilespmem:v12+s3+$0x0], $0xffff;
	[tilespmem:s8+$0xFFFFFFD0] =	vst v14  }
.LBB2_30:
0x25a: {  	v10 =	vld [tilespmem:s11+$0x30];
	s9 =	sadd.s32 $0x8, s9;
	[tilespmem:s8+$0xFFFFFFE0] =	vst v9  }
0x25b: {  	v9 =	vld [tilespmem:s11+$0xFFFFFFD0];
	p0 =	slt.u32 s9, $0xB8;
	[tilespmem:s8+$0xFFFFFFF0] =	vst v7  }
0x25c: {  	v7 =	vld [tilespmem:s11+$0xFFFFFFE0];
	[tilespmem:s8+$0x0] =	vst v4  }
0x25d: {  	v4 =	vld [tilespmem:s11+$0xFFFFFFF0];
	[tilespmem:s8+$0x10] =	vst v5  }
0x25e: {  	v5 =	vld [tilespmem:s11+$0x0];
	[tilespmem:s8+$0x20] =	vst v6  }
0x25f: {  	v6 =	vld [tilespmem:s11+$0x10];
	[tilespmem:s8+$0xFFFFFFC0] =	vst v8  }
0x260: {  	v8 =	vld [tilespmem:s11+$0x20]  }
0x261: {  	v11 =	vld [tilespmem:s11+$0xFFFFFFC0]  }
0x262: {  	v10 =	vld.idx.msk [tilespmem:v10+s3+$0x0], $0xffff  }
0x263: {  	v12 =	vld.idx.msk [tilespmem:v9+s3+$0x0], $0xffff  }
0x264: {  	v9 =	vld.idx.msk [tilespmem:v7+s3+$0x0], $0xffff  }
.Ltmp14:
0x265: {  	v7 =	vld.idx.msk [tilespmem:v4+s3+$0x0], $0xffff;
	(pc) =	sbr.rel @p0 .LBB2_30-.Ltmp14, $4  }
0x266: {  	v4 =	vld.idx.msk [tilespmem:v5+s3+$0x0], $0xffff  }
0x267: {  	s8 =	sadd.s32 $0x80, s8;
	v5 =	vld.idx.msk [tilespmem:v6+s3+$0x0], $0xffff  }
0x268: {  	v6 =	vld.idx.msk [tilespmem:v8+s3+$0x0], $0xffff;
	[tilespmem:s8+$0x30] =	vst v10  }
0x269: {  	s11 =	sadd.s32 $0x80, s11;
	v8 =	vld.idx.msk [tilespmem:v11+s3+$0x0], $0xffff;
	[tilespmem:s8+$0xFFFFFFD0] =	vst v12  }
0x26a: {  	[tilespmem:s8+$0xFFFFFFE0] =	vst v9  }
0x26b: {  	[tilespmem:s8+$0xFFFFFFF0] =	vst v7  }
0x26c: {  	[tilespmem:s8+$0x0] =	vst v4  }
0x26d: {  	[tilespmem:s8+$0x10] =	vst v5  }
0x26e: {  	[tilespmem:s8+$0x20] =	vst v6  }
0x26f: {  	[tilespmem:s8+$0xFFFFFFC0] =	vst v8  }
0x270: {  	s8 =	rddreg [dreg:$0xe]  }
0x271: {  	[hbm4b:s8+s22] =	stream.strided.scatter [tilespmem:s4], [sflag:$0x4], $0xC00, s23, s22, $0x38;
	[tilespmem:$0x17300] =	vst v63  }
0x272: {  	_ =	swait.ge [sflag:s24], $0xC00  }
0x273: {  	[sflag:s24] =	ssyncset.done $0x0  }
0x274: {  	[sflag:s24] =	ssyncadd.s32 $0xFFFFF400  }
0x275: {  	_ =	swait.ge [sflag:s26], $0x5E00  }
0x276: {  	[sflag:s26] =	ssyncset.done $0x0  }
0x277: {  	s21 =	simm.s32 $0x13E40;
	s20 =	rddreg [dreg:$0xf];
	[sflag:s26] =	ssyncadd.s32 $0xFFFFA200  }
0x278: {  	[tilespmem:s3], [sflag:$0x2] =	stream.strided.gather [hbm4b:s20+s22], $0x5E00, s23, s22, $0x38;
	[tilespmem:$0x17300] =	vst v63  }
0x279: {  	v4 =	vld [tilespmem:s21+$0x30]  }
0x27a: {  	v5 =	vld [tilespmem:s21+$0xFFFFFFD0]  }
0x27b: {  	v6 =	vld [tilespmem:s21+$0xFFFFFFE0]  }
0x27c: {  	v7 =	vld [tilespmem:s21+$0xFFFFFFF0]  }
0x27d: {  	v8 =	vld [tilespmem:s21+$0x0]  }
0x27e: {  	v10 =	vld [tilespmem:s21+$0x10]  }
0x27f: {  	v11 =	vld [tilespmem:s21+$0x20]  }
0x280: {  	v12 =	vld [tilespmem:s21+$0xFFFFFFC0]  }
0x281: {  	v13 =	vld.idx.msk [tilespmem:v4+s2+$0x0], $0xffff  }
0x282: {  	v14 =	vld.idx.msk [tilespmem:v5+s2+$0x0], $0xffff  }
0x283: {  	v9 =	vld.idx.msk [tilespmem:v6+s2+$0x0], $0xffff  }
0x284: {  	v7 =	vld.idx.msk [tilespmem:v7+s2+$0x0], $0xffff  }
0x285: {  	v4 =	vld.idx.msk [tilespmem:v8+s2+$0x0], $0xffff  }
0x286: {  	s8 =	simm.s32 $0x14A40;
	v5 =	vld.idx.msk [tilespmem:v10+s2+$0x0], $0xffff  }
0x287: {  	v6 =	vld.idx.msk [tilespmem:v11+s2+$0x0], $0xffff;
	[tilespmem:s8+$0x30] =	vst v13  }
0x288: {  	s9 =	simm.s32 $0x0;
	s11 =	simm.s32 $0x13EC0;
	v8 =	vld.idx.msk [tilespmem:v12+s2+$0x0], $0xffff;
	[tilespmem:s8+$0xFFFFFFD0] =	vst v14  }
.LBB2_32:
0x289: {  	v10 =	vld [tilespmem:s11+$0x30];
	s9 =	sadd.s32 $0x8, s9;
	[tilespmem:s8+$0xFFFFFFE0] =	vst v9  }
0x28a: {  	v9 =	vld [tilespmem:s11+$0xFFFFFFD0];
	p0 =	slt.u32 s9, $0xB8;
	[tilespmem:s8+$0xFFFFFFF0] =	vst v7  }
0x28b: {  	v7 =	vld [tilespmem:s11+$0xFFFFFFE0];
	[tilespmem:s8+$0x0] =	vst v4  }
0x28c: {  	v4 =	vld [tilespmem:s11+$0xFFFFFFF0];
	[tilespmem:s8+$0x10] =	vst v5  }
0x28d: {  	v5 =	vld [tilespmem:s11+$0x0];
	[tilespmem:s8+$0x20] =	vst v6  }
0x28e: {  	v6 =	vld [tilespmem:s11+$0x10];
	[tilespmem:s8+$0xFFFFFFC0] =	vst v8  }
0x28f: {  	v8 =	vld [tilespmem:s11+$0x20]  }
0x290: {  	v11 =	vld [tilespmem:s11+$0xFFFFFFC0]  }
0x291: {  	v10 =	vld.idx.msk [tilespmem:v10+s2+$0x0], $0xffff  }
0x292: {  	v12 =	vld.idx.msk [tilespmem:v9+s2+$0x0], $0xffff  }
0x293: {  	v9 =	vld.idx.msk [tilespmem:v7+s2+$0x0], $0xffff  }
.Ltmp15:
0x294: {  	v7 =	vld.idx.msk [tilespmem:v4+s2+$0x0], $0xffff;
	(pc) =	sbr.rel @p0 .LBB2_32-.Ltmp15, $4  }
0x295: {  	v4 =	vld.idx.msk [tilespmem:v5+s2+$0x0], $0xffff  }
0x296: {  	s8 =	sadd.s32 $0x80, s8;
	v5 =	vld.idx.msk [tilespmem:v6+s2+$0x0], $0xffff  }
0x297: {  	v6 =	vld.idx.msk [tilespmem:v8+s2+$0x0], $0xffff;
	[tilespmem:s8+$0x30] =	vst v10  }
0x298: {  	s11 =	sadd.s32 $0x80, s11;
	v8 =	vld.idx.msk [tilespmem:v11+s2+$0x0], $0xffff;
	[tilespmem:s8+$0xFFFFFFD0] =	vst v12  }
0x299: {  	[tilespmem:s8+$0xFFFFFFE0] =	vst v9  }
0x29a: {  	[tilespmem:s8+$0xFFFFFFF0] =	vst v7  }
0x29b: {  	[tilespmem:s8+$0x0] =	vst v4  }
0x29c: {  	[tilespmem:s8+$0x10] =	vst v5  }
0x29d: {  	[tilespmem:s8+$0x20] =	vst v6  }
0x29e: {  	[tilespmem:s8+$0xFFFFFFC0] =	vst v8  }
0x29f: {  	s8 =	rddreg [dreg:$0x10]  }
0x2a0: {  	[hbm4b:s8+s22] =	stream.strided.scatter [tilespmem:s4], [sflag:$0x4], $0xC00, s23, s22, $0x38;
	[tilespmem:$0x17300] =	vst v63  }
0x2a1: {  	_ =	swait.ge [sflag:s24], $0xC00  }
0x2a2: {  	[sflag:s24] =	ssyncset.done $0x0  }
0x2a3: {  	[sflag:s24] =	ssyncadd.s32 $0xFFFFF400  }
0x2a4: {  	_ =	swait.ge [sflag:s5], $0x5E00  }
0x2a5: {  	[sflag:s5] =	ssyncset.done $0x0  }
0x2a6: {  	s21 =	simm.s32 $0x13E40;
	s20 =	rddreg [dreg:$0x11];
	[sflag:s5] =	ssyncadd.s32 $0xFFFFA200  }
0x2a7: {  	[tilespmem:s2], [sflag:$0x1] =	stream.strided.gather [hbm4b:s20+s22], $0x5E00, s23, s22, $0x38;
	[tilespmem:$0x17300] =	vst v63  }
0x2a8: {  	v4 =	vld [tilespmem:s21+$0x30]  }
0x2a9: {  	v5 =	vld [tilespmem:s21+$0xFFFFFFD0]  }
0x2aa: {  	v6 =	vld [tilespmem:s21+$0xFFFFFFE0]  }
0x2ab: {  	v7 =	vld [tilespmem:s21+$0xFFFFFFF0]  }
0x2ac: {  	v8 =	vld [tilespmem:s21+$0x0]  }
0x2ad: {  	v10 =	vld [tilespmem:s21+$0x10]  }
0x2ae: {  	v11 =	vld [tilespmem:s21+$0x20]  }
0x2af: {  	v12 =	vld [tilespmem:s21+$0xFFFFFFC0]  }
0x2b0: {  	v13 =	vld.idx.msk [tilespmem:v4+s3+$0x0], $0xffff  }
0x2b1: {  	v14 =	vld.idx.msk [tilespmem:v5+s3+$0x0], $0xffff  }
0x2b2: {  	v9 =	vld.idx.msk [tilespmem:v6+s3+$0x0], $0xffff  }
0x2b3: {  	v7 =	vld.idx.msk [tilespmem:v7+s3+$0x0], $0xffff  }
0x2b4: {  	v4 =	vld.idx.msk [tilespmem:v8+s3+$0x0], $0xffff  }
0x2b5: {  	s8 =	simm.s32 $0x14A40;
	v5 =	vld.idx.msk [tilespmem:v10+s3+$0x0], $0xffff  }
0x2b6: {  	v6 =	vld.idx.msk [tilespmem:v11+s3+$0x0], $0xffff;
	[tilespmem:s8+$0x30] =	vst v13  }
0x2b7: {  	s9 =	simm.s32 $0x0;
	s11 =	simm.s32 $0x13EC0;
	v8 =	vld.idx.msk [tilespmem:v12+s3+$0x0], $0xffff;
	[tilespmem:s8+$0xFFFFFFD0] =	vst v14  }
.LBB2_34:
0x2b8: {  	v10 =	vld [tilespmem:s11+$0x30];
	s9 =	sadd.s32 $0x8, s9;
	[tilespmem:s8+$0xFFFFFFE0] =	vst v9  }
0x2b9: {  	v9 =	vld [tilespmem:s11+$0xFFFFFFD0];
	p0 =	slt.u32 s9, $0xB8;
	[tilespmem:s8+$0xFFFFFFF0] =	vst v7  }
0x2ba: {  	v7 =	vld [tilespmem:s11+$0xFFFFFFE0];
	[tilespmem:s8+$0x0] =	vst v4  }
0x2bb: {  	v4 =	vld [tilespmem:s11+$0xFFFFFFF0];
	[tilespmem:s8+$0x10] =	vst v5  }
0x2bc: {  	v5 =	vld [tilespmem:s11+$0x0];
	[tilespmem:s8+$0x20] =	vst v6  }
0x2bd: {  	v6 =	vld [tilespmem:s11+$0x10];
	[tilespmem:s8+$0xFFFFFFC0] =	vst v8  }
0x2be: {  	v8 =	vld [tilespmem:s11+$0x20]  }
0x2bf: {  	v11 =	vld [tilespmem:s11+$0xFFFFFFC0]  }
0x2c0: {  	v10 =	vld.idx.msk [tilespmem:v10+s3+$0x0], $0xffff  }
0x2c1: {  	v12 =	vld.idx.msk [tilespmem:v9+s3+$0x0], $0xffff  }
0x2c2: {  	v9 =	vld.idx.msk [tilespmem:v7+s3+$0x0], $0xffff  }
.Ltmp16:
0x2c3: {  	v7 =	vld.idx.msk [tilespmem:v4+s3+$0x0], $0xffff;
	(pc) =	sbr.rel @p0 .LBB2_34-.Ltmp16, $4  }
0x2c4: {  	v4 =	vld.idx.msk [tilespmem:v5+s3+$0x0], $0xffff  }
0x2c5: {  	s8 =	sadd.s32 $0x80, s8;
	v5 =	vld.idx.msk [tilespmem:v6+s3+$0x0], $0xffff  }
0x2c6: {  	v6 =	vld.idx.msk [tilespmem:v8+s3+$0x0], $0xffff;
	[tilespmem:s8+$0x30] =	vst v10  }
0x2c7: {  	s11 =	sadd.s32 $0x80, s11;
	v8 =	vld.idx.msk [tilespmem:v11+s3+$0x0], $0xffff;
	[tilespmem:s8+$0xFFFFFFD0] =	vst v12  }
0x2c8: {  	[tilespmem:s8+$0xFFFFFFE0] =	vst v9  }
0x2c9: {  	[tilespmem:s8+$0xFFFFFFF0] =	vst v7  }
0x2ca: {  	[tilespmem:s8+$0x0] =	vst v4  }
0x2cb: {  	[tilespmem:s8+$0x10] =	vst v5  }
0x2cc: {  	[tilespmem:s8+$0x20] =	vst v6  }
0x2cd: {  	[tilespmem:s8+$0xFFFFFFC0] =	vst v8  }
0x2ce: {  	s8 =	rddreg [dreg:$0x12]  }
0x2cf: {  	[hbm4b:s8+s22] =	stream.strided.scatter [tilespmem:s4], [sflag:$0x4], $0xC00, s23, s22, $0x38;
	[tilespmem:$0x17300] =	vst v63  }
0x2d0: {  	_ =	swait.ge [sflag:s24], $0xC00  }
0x2d1: {  	[sflag:s24] =	ssyncset.done $0x0  }
0x2d2: {  	[sflag:s24] =	ssyncadd.s32 $0xFFFFF400  }
0x2d3: {  	_ =	swait.ge [sflag:s26], $0x5E00  }
0x2d4: {  	[sflag:s26] =	ssyncset.done $0x0  }
0x2d5: {  	s21 =	simm.s32 $0x13E40;
	s20 =	rddreg [dreg:$0x13];
	[sflag:s26] =	ssyncadd.s32 $0xFFFFA200  }
0x2d6: {  	[tilespmem:s3], [sflag:$0x2] =	stream.strided.gather [hbm4b:s20+s22], $0x5E00, s23, s22, $0x38;
	[tilespmem:$0x17300] =	vst v63  }
0x2d7: {  	v4 =	vld [tilespmem:s21+$0x30]  }
0x2d8: {  	v5 =	vld [tilespmem:s21+$0xFFFFFFD0]  }
0x2d9: {  	v6 =	vld [tilespmem:s21+$0xFFFFFFE0]  }
0x2da: {  	v7 =	vld [tilespmem:s21+$0xFFFFFFF0]  }
0x2db: {  	v8 =	vld [tilespmem:s21+$0x0]  }
0x2dc: {  	v10 =	vld [tilespmem:s21+$0x10]  }
0x2dd: {  	v11 =	vld [tilespmem:s21+$0x20]  }
0x2de: {  	v12 =	vld [tilespmem:s21+$0xFFFFFFC0]  }
0x2df: {  	v13 =	vld.idx.msk [tilespmem:v4+s2+$0x0], $0xffff  }
0x2e0: {  	v14 =	vld.idx.msk [tilespmem:v5+s2+$0x0], $0xffff  }
0x2e1: {  	v9 =	vld.idx.msk [tilespmem:v6+s2+$0x0], $0xffff  }
0x2e2: {  	v7 =	vld.idx.msk [tilespmem:v7+s2+$0x0], $0xffff  }
0x2e3: {  	v4 =	vld.idx.msk [tilespmem:v8+s2+$0x0], $0xffff  }
0x2e4: {  	s8 =	simm.s32 $0x14A40;
	v5 =	vld.idx.msk [tilespmem:v10+s2+$0x0], $0xffff  }
0x2e5: {  	v6 =	vld.idx.msk [tilespmem:v11+s2+$0x0], $0xffff;
	[tilespmem:s8+$0x30] =	vst v13  }
0x2e6: {  	s9 =	simm.s32 $0x0;
	s11 =	simm.s32 $0x13EC0;
	v8 =	vld.idx.msk [tilespmem:v12+s2+$0x0], $0xffff;
	[tilespmem:s8+$0xFFFFFFD0] =	vst v14  }
.LBB2_36:
0x2e7: {  	v10 =	vld [tilespmem:s11+$0x30];
	s9 =	sadd.s32 $0x8, s9;
	[tilespmem:s8+$0xFFFFFFE0] =	vst v9  }
0x2e8: {  	v9 =	vld [tilespmem:s11+$0xFFFFFFD0];
	p0 =	slt.u32 s9, $0xB8;
	[tilespmem:s8+$0xFFFFFFF0] =	vst v7  }
0x2e9: {  	v7 =	vld [tilespmem:s11+$0xFFFFFFE0];
	[tilespmem:s8+$0x0] =	vst v4  }
0x2ea: {  	v4 =	vld [tilespmem:s11+$0xFFFFFFF0];
	[tilespmem:s8+$0x10] =	vst v5  }
0x2eb: {  	v5 =	vld [tilespmem:s11+$0x0];
	[tilespmem:s8+$0x20] =	vst v6  }
0x2ec: {  	v6 =	vld [tilespmem:s11+$0x10];
	[tilespmem:s8+$0xFFFFFFC0] =	vst v8  }
0x2ed: {  	v8 =	vld [tilespmem:s11+$0x20]  }
0x2ee: {  	v11 =	vld [tilespmem:s11+$0xFFFFFFC0]  }
0x2ef: {  	v10 =	vld.idx.msk [tilespmem:v10+s2+$0x0], $0xffff  }
0x2f0: {  	v12 =	vld.idx.msk [tilespmem:v9+s2+$0x0], $0xffff  }
0x2f1: {  	v9 =	vld.idx.msk [tilespmem:v7+s2+$0x0], $0xffff  }
.Ltmp17:
0x2f2: {  	v7 =	vld.idx.msk [tilespmem:v4+s2+$0x0], $0xffff;
	(pc) =	sbr.rel @p0 .LBB2_36-.Ltmp17, $4  }
0x2f3: {  	v4 =	vld.idx.msk [tilespmem:v5+s2+$0x0], $0xffff  }
0x2f4: {  	s8 =	sadd.s32 $0x80, s8;
	v5 =	vld.idx.msk [tilespmem:v6+s2+$0x0], $0xffff  }
0x2f5: {  	v6 =	vld.idx.msk [tilespmem:v8+s2+$0x0], $0xffff;
	[tilespmem:s8+$0x30] =	vst v10  }
0x2f6: {  	s11 =	sadd.s32 $0x80, s11;
	v8 =	vld.idx.msk [tilespmem:v11+s2+$0x0], $0xffff;
	[tilespmem:s8+$0xFFFFFFD0] =	vst v12  }
0x2f7: {  	[tilespmem:s8+$0xFFFFFFE0] =	vst v9  }
0x2f8: {  	[tilespmem:s8+$0xFFFFFFF0] =	vst v7  }
0x2f9: {  	[tilespmem:s8+$0x0] =	vst v4  }
0x2fa: {  	[tilespmem:s8+$0x10] =	vst v5  }
0x2fb: {  	[tilespmem:s8+$0x20] =	vst v6  }
0x2fc: {  	[tilespmem:s8+$0xFFFFFFC0] =	vst v8  }
0x2fd: {  	s8 =	rddreg [dreg:$0x14]  }
0x2fe: {  	[hbm4b:s8+s22] =	stream.strided.scatter [tilespmem:s4], [sflag:$0x4], $0xC00, s23, s22, $0x38;
	[tilespmem:$0x17300] =	vst v63  }
0x2ff: {  	_ =	swait.ge [sflag:s24], $0xC00  }
0x300: {  	[sflag:s24] =	ssyncset.done $0x0  }
0x301: {  	[sflag:s24] =	ssyncadd.s32 $0xFFFFF400  }
0x302: {  	_ =	swait.ge [sflag:s5], $0x5E00  }
0x303: {  	[sflag:s5] =	ssyncset.done $0x0  }
0x304: {  	s21 =	simm.s32 $0x13E40;
	[sflag:s5] =	ssyncadd.s32 $0xFFFFA200  }
0x305: {  	v4 =	vld [tilespmem:s21+$0x30]  }
0x306: {  	v5 =	vld [tilespmem:s21+$0xFFFFFFD0]  }
0x307: {  	v6 =	vld [tilespmem:s21+$0xFFFFFFE0]  }
0x308: {  	v7 =	vld [tilespmem:s21+$0xFFFFFFF0]  }
0x309: {  	v8 =	vld [tilespmem:s21+$0x0]  }
0x30a: {  	v10 =	vld [tilespmem:s21+$0x10]  }
0x30b: {  	v11 =	vld [tilespmem:s21+$0x20]  }
0x30c: {  	v12 =	vld [tilespmem:s21+$0xFFFFFFC0]  }
0x30d: {  	v13 =	vld.idx.msk [tilespmem:v4+s3+$0x0], $0xffff  }
0x30e: {  	v14 =	vld.idx.msk [tilespmem:v5+s3+$0x0], $0xffff  }
0x30f: {  	v9 =	vld.idx.msk [tilespmem:v6+s3+$0x0], $0xffff  }
0x310: {  	v7 =	vld.idx.msk [tilespmem:v7+s3+$0x0], $0xffff  }
0x311: {  	v4 =	vld.idx.msk [tilespmem:v8+s3+$0x0], $0xffff  }
0x312: {  	s8 =	simm.s32 $0x14A40;
	v5 =	vld.idx.msk [tilespmem:v10+s3+$0x0], $0xffff  }
0x313: {  	v6 =	vld.idx.msk [tilespmem:v11+s3+$0x0], $0xffff;
	[tilespmem:s8+$0x30] =	vst v13  }
0x314: {  	s9 =	simm.s32 $0x0;
	s11 =	simm.s32 $0x13EC0;
	v8 =	vld.idx.msk [tilespmem:v12+s3+$0x0], $0xffff;
	[tilespmem:s8+$0xFFFFFFD0] =	vst v14  }
.LBB2_38:
0x315: {  	v10 =	vld [tilespmem:s11+$0x30];
	s9 =	sadd.s32 $0x8, s9;
	[tilespmem:s8+$0xFFFFFFE0] =	vst v9  }
0x316: {  	v9 =	vld [tilespmem:s11+$0xFFFFFFD0];
	p0 =	slt.u32 s9, $0xB8;
	[tilespmem:s8+$0xFFFFFFF0] =	vst v7  }
0x317: {  	v7 =	vld [tilespmem:s11+$0xFFFFFFE0];
	[tilespmem:s8+$0x0] =	vst v4  }
0x318: {  	v4 =	vld [tilespmem:s11+$0xFFFFFFF0];
	[tilespmem:s8+$0x10] =	vst v5  }
0x319: {  	v5 =	vld [tilespmem:s11+$0x0];
	[tilespmem:s8+$0x20] =	vst v6  }
0x31a: {  	v6 =	vld [tilespmem:s11+$0x10];
	[tilespmem:s8+$0xFFFFFFC0] =	vst v8  }
0x31b: {  	v8 =	vld [tilespmem:s11+$0x20]  }
0x31c: {  	v11 =	vld [tilespmem:s11+$0xFFFFFFC0]  }
0x31d: {  	v10 =	vld.idx.msk [tilespmem:v10+s3+$0x0], $0xffff  }
0x31e: {  	v12 =	vld.idx.msk [tilespmem:v9+s3+$0x0], $0xffff  }
0x31f: {  	v9 =	vld.idx.msk [tilespmem:v7+s3+$0x0], $0xffff  }
.Ltmp18:
0x320: {  	v7 =	vld.idx.msk [tilespmem:v4+s3+$0x0], $0xffff;
	(pc) =	sbr.rel @p0 .LBB2_38-.Ltmp18, $4  }
0x321: {  	v4 =	vld.idx.msk [tilespmem:v5+s3+$0x0], $0xffff  }
0x322: {  	s8 =	sadd.s32 $0x80, s8;
	v5 =	vld.idx.msk [tilespmem:v6+s3+$0x0], $0xffff  }
0x323: {  	v6 =	vld.idx.msk [tilespmem:v8+s3+$0x0], $0xffff;
	[tilespmem:s8+$0x30] =	vst v10  }
0x324: {  	s11 =	sadd.s32 $0x80, s11;
	v8 =	vld.idx.msk [tilespmem:v11+s3+$0x0], $0xffff;
	[tilespmem:s8+$0xFFFFFFD0] =	vst v12  }
0x325: {  	[tilespmem:s8+$0xFFFFFFE0] =	vst v9  }
0x326: {  	[tilespmem:s8+$0xFFFFFFF0] =	vst v7  }
0x327: {  	[tilespmem:s8+$0x0] =	vst v4  }
0x328: {  	[tilespmem:s8+$0x10] =	vst v5  }
0x329: {  	[tilespmem:s8+$0x20] =	vst v6  }
0x32a: {  	[tilespmem:s8+$0xFFFFFFC0] =	vst v8  }
0x32b: {  	s8 =	rddreg [dreg:$0x15]  }
0x32c: {  	[hbm4b:s8+s22] =	stream.strided.scatter [tilespmem:s4], [sflag:$0x4], $0xC00, s23, s22, $0x38;
	[tilespmem:$0x17300] =	vst v63  }
0x32d: {  	_ =	swait.ge [sflag:s24], $0xC00  }
0x32e: {  	[sflag:s24] =	ssyncset.done $0x0  }
0x32f: {  	[sflag:s24] =	ssyncadd.s32 $0xFFFFF400  }
0x330: {  	_ =	swait.ge [sflag:s6], $0x5E00  }
0x331: {  	[sflag:s6] =	ssyncset.done $0x0  }
0x332: {  	s21 =	simm.s32 $0x13E40;
	[sflag:s6] =	ssyncadd.s32 $0xFFFFA200  }
0x333: {  	v4 =	vld [tilespmem:s21+$0x30]  }
0x334: {  	v5 =	vld [tilespmem:s21+$0xFFFFFFD0]  }
0x335: {  	v6 =	vld [tilespmem:s21+$0xFFFFFFE0]  }
0x336: {  	v7 =	vld [tilespmem:s21+$0xFFFFFFF0]  }
0x337: {  	v8 =	vld [tilespmem:s21+$0x0]  }
0x338: {  	v10 =	vld [tilespmem:s21+$0x10]  }
0x339: {  	v11 =	vld [tilespmem:s21+$0x20]  }
0x33a: {  	v12 =	vld [tilespmem:s21+$0xFFFFFFC0]  }
0x33b: {  	v13 =	vld.idx.msk [tilespmem:v4+s30+$0x0], $0xffff  }
0x33c: {  	v14 =	vld.idx.msk [tilespmem:v5+s30+$0x0], $0xffff  }
0x33d: {  	v9 =	vld.idx.msk [tilespmem:v6+s30+$0x0], $0xffff  }
0x33e: {  	v7 =	vld.idx.msk [tilespmem:v7+s30+$0x0], $0xffff  }
0x33f: {  	v4 =	vld.idx.msk [tilespmem:v8+s30+$0x0], $0xffff  }
0x340: {  	s8 =	simm.s32 $0x15640;
	v5 =	vld.idx.msk [tilespmem:v10+s30+$0x0], $0xffff  }
0x341: {  	v6 =	vld.idx.msk [tilespmem:v11+s30+$0x0], $0xffff;
	[tilespmem:s8+$0x30] =	vst v13  }
0x342: {  	s9 =	simm.s32 $0x0;
	s11 =	simm.s32 $0x13EC0;
	v8 =	vld.idx.msk [tilespmem:v12+s30+$0x0], $0xffff;
	[tilespmem:s8+$0xFFFFFFD0] =	vst v14  }
.LBB2_40:
0x343: {  	v10 =	vld [tilespmem:s11+$0x30];
	s9 =	sadd.s32 $0x8, s9;
	[tilespmem:s8+$0xFFFFFFE0] =	vst v9  }
0x344: {  	v9 =	vld [tilespmem:s11+$0xFFFFFFD0];
	p0 =	slt.u32 s9, $0xB8;
	[tilespmem:s8+$0xFFFFFFF0] =	vst v7  }
0x345: {  	v7 =	vld [tilespmem:s11+$0xFFFFFFE0];
	[tilespmem:s8+$0x0] =	vst v4  }
0x346: {  	v4 =	vld [tilespmem:s11+$0xFFFFFFF0];
	[tilespmem:s8+$0x10] =	vst v5  }
0x347: {  	v5 =	vld [tilespmem:s11+$0x0];
	[tilespmem:s8+$0x20] =	vst v6  }
0x348: {  	v6 =	vld [tilespmem:s11+$0x10];
	[tilespmem:s8+$0xFFFFFFC0] =	vst v8  }
0x349: {  	v8 =	vld [tilespmem:s11+$0x20]  }
0x34a: {  	v11 =	vld [tilespmem:s11+$0xFFFFFFC0]  }
0x34b: {  	v10 =	vld.idx.msk [tilespmem:v10+s30+$0x0], $0xffff  }
0x34c: {  	v12 =	vld.idx.msk [tilespmem:v9+s30+$0x0], $0xffff  }
0x34d: {  	v9 =	vld.idx.msk [tilespmem:v7+s30+$0x0], $0xffff  }
.Ltmp19:
0x34e: {  	v7 =	vld.idx.msk [tilespmem:v4+s30+$0x0], $0xffff;
	(pc) =	sbr.rel @p0 .LBB2_40-.Ltmp19, $4  }
0x34f: {  	v4 =	vld.idx.msk [tilespmem:v5+s30+$0x0], $0xffff  }
0x350: {  	s8 =	sadd.s32 $0x80, s8;
	v5 =	vld.idx.msk [tilespmem:v6+s30+$0x0], $0xffff  }
0x351: {  	v6 =	vld.idx.msk [tilespmem:v8+s30+$0x0], $0xffff;
	[tilespmem:s8+$0x30] =	vst v10  }
0x352: {  	s11 =	sadd.s32 $0x80, s11;
	v8 =	vld.idx.msk [tilespmem:v11+s30+$0x0], $0xffff;
	[tilespmem:s8+$0xFFFFFFD0] =	vst v12  }
0x353: {  	[tilespmem:s8+$0xFFFFFFE0] =	vst v9  }
0x354: {  	[tilespmem:s8+$0xFFFFFFF0] =	vst v7  }
0x355: {  	[tilespmem:s8+$0x0] =	vst v4  }
0x356: {  	[tilespmem:s8+$0x10] =	vst v5  }
0x357: {  	[tilespmem:s8+$0x20] =	vst v6  }
0x358: {  	[tilespmem:s8+$0xFFFFFFC0] =	vst v8  }
0x359: {  	s9 =	simm.s32 $0x15600;
	s8 =	rddreg [dreg:$0x16]  }
0x35a: {  	[hbm4b:s8+s22] =	stream.strided.scatter [tilespmem:s9], [sflag:$0x4], $0xC00, s23, s22, $0x38;
	[tilespmem:$0x17300] =	vst v63  }
0x35b: {  	_ =	swait.ge [sflag:s24], $0xC00  }
0x35c: {  	s7 =	sadd.s32 $0x1, s7;
	s21 =	rddreg [dreg:$0x17]  }
0x35d: {  	p0 =	sne.s32 s7, s21  }
.Ltmp20:
0x35e: {  	_ = 	snop;
	(pc) =	sbr.rel @p0 .LBB2_1-.Ltmp20, $3  }
0x35f: {  	_ =	sdelay $0x1  }
0x360: {  	[sflag:s24] =	ssyncset.done $0x0  }
0x361: {  	[sflag:s24] =	ssyncadd.s32 $0xFFFFF400  }
0x362: {  	_ =	sfence.sel $0x180000  }
0x363: {  	[bflag:$0x0] =	sbarrier.arrive $0xFFFF  }
0x364: {  	_ =	strace $0x90000047  }
0x365: {  	s0 =	stileid.u32;
	[bflag:$0x2] =	sbarrier.arrive $0xFFFF  }
0x366: {  	p0 =	sne.s32 s0, $0x0;
	s0 =	rddreg [dreg:$0x5]  }
0x367: {  	s0 =	sadd.s32 @!p0 $0x100000, s0  }
0x368: {  	[sflag:s0] =	ssyncadd.tile.s32 @!p0 $0x1;
	_ =	shalt  }
.Lfunc_end2:
_tile_overlayer_lowered:
.L_overlay_start_2:
0x369: {  	(tag) =	ssettag $0x2  }
0x36a: {  	s0 =	rddreg [dreg:$0x0];
	s2 =	stileid.u32  }
0x36b: {  	s1 =	rddreg [dreg:$0x1];
	p0 =	sne.s32 s2, $0x0  }
0x36c: {  	s3 =	rddreg [dreg:$0x2];
	[bflag:$0x3] =	sbarrier.arrive $0xFFFF;
	s2 =	simm.s32 @!p0 $0x1C04  }
0x36d: {  	[timem:s3], [sflag:s2] =	dma.local @!p0 [hbm:s0], s1  }
0x36e: {  	s0 =	simm.s32 @!p0 $0x4  }
0x36f: {  	_ =	swait.ge @!p0 [sflag:s0], s1  }
0x370: {  	s1 =	ssub.s32 @!p0 $0x0, s1;
	[sflag:s0] =	ssyncset.done @!p0 $0x0  }
0x371: {  	[sflag:s0] =	ssyncadd.s32 @!p0 s1  }
0x372: {  	[bflag:$0x3] =	sbarrier.arrive $0xFFFF  }
0x373: {  	_ =	shalt  }

</sc_bundles>
